<compile_context>
chip_gen: v7x
topology: tpu7x:2x2x1
jax: 0.10.2.dev20260603
libtpu: 0.0.44.dev20260713+nightly
codegen_flags: <defaults>
</compile_context>

<pallas_src>
import functools

import jax
import jax.numpy as jnp
from jax import lax
from jax.experimental import pallas as pl
from jax.experimental.pallas import tpu as pltpu
from jax.experimental.pallas import tpu_sc as plsc

_NC, _NS, _L = 2, 16, 16
_NW = _NC * _NS
_SPLIT = 72000
_SC_CH = 14000
_VPI = 5
_W = 4096
_K = 4


def _sc_body(x_hbm, t_hbm, sums_hbm, tv_hbm, buf0, buf1, out_v, tgt_v,
             idx_v, tvals_v, sem0, sem1, gsem, *, nrows, ncols, col0):
    rw = nrows // _NW
    seg = ncols - col0
    nch = seg // _SC_CH
    wid = lax.axis_index("s") * _NC + lax.axis_index("c")
    bufs = (buf0, buf1)
    sems = (sem0, sem1)
    row0 = wid * rw

    def _chunk_start(k):
        row = k // nch
        return (row0 + row) * ncols + col0 + (k % nch) * _SC_CH

    nchunks = rw * nch
    handles = [None, None]
    handles[0] = pltpu.async_copy(
        x_hbm.at[pl.ds(_chunk_start(0), _SC_CH)], bufs[0], sems[0]
    )
    acc = None
    for k in range(nchunks):
        if k + 1 < nchunks:
            nb = (k + 1) % 2
            handles[nb] = pltpu.async_copy(
                x_hbm.at[pl.ds(_chunk_start(k + 1), _SC_CH)], bufs[nb], sems[nb]
            )
        cb = k % 2
        handles[cb].wait()
        buf = bufs[cb]
        if k % nch == 0:
            acc = tuple(jnp.zeros((_L,), jnp.float32) for _ in range(_VPI))

        def _step(i, a, _buf=buf):
            outs = []
            for v in range(_VPI):
                off = pl.multiple_of(i * (_L * _VPI) + v * _L, _L)
                outs.append(a[v] + jnp.exp(_buf[pl.ds(off, _L)]))
            return tuple(outs)

        acc = lax.fori_loop(0, _SC_CH // (_L * _VPI), _step, acc)
        if (k + 1) % nch == 0:
            row = k // nch
            total = acc[0]
            for v in range(1, _VPI):
                total = total + acc[v]
            out_v[pl.ds(row * _L, _L)] = total
    pltpu.sync_copy(out_v, sums_hbm.at[pl.ds(row0 * _L, rw * _L)])

    @pl.when(wid == 0)
    def _gather_targets():
        pltpu.sync_copy(t_hbm, tgt_v)
        for i in range(nrows // _L):
            t16 = tgt_v[pl.ds(i * _L, _L)]
            row16 = lax.iota(jnp.int32, _L) + (i * _L)
            idx_v[pl.ds(i * _L, _L)] = row16 * ncols + t16
        pltpu.async_copy(x_hbm.at[idx_v], tvals_v, gsem).wait()
        pltpu.sync_copy(tvals_v, tv_hbm)


def _tc_sum_kernel(*refs, nsteps, width, ncols, nstreams):
    x_refs = refs[:nstreams]
    o_ref = refs[nstreams]
    acc = refs[nstreams + 1]
    j = pl.program_id(0)

    s = None
    for k in range(nstreams):
        x = x_refs[k][...]
        b, w = x.shape
        col = (j * nstreams + k) * width + jax.lax.broadcasted_iota(
            jnp.int32, (b, w), 1
        )
        e = jnp.where(col < ncols, jnp.exp(x), 0.0)
        sk = jnp.sum(e, axis=1, keepdims=True)
        s = sk if s is None else s + sk

    @pl.when(j == 0)
    def _init():
        acc[...] = s

    @pl.when(j > 0)
    def _accum():
        acc[...] += s

    @pl.when(j == nsteps - 1)
    def _finish():
        o_ref[...] = acc[...]


def _finish_kernel(sc_ref, tc_ref, t_ref, o_ref):
    s = jnp.sum(sc_ref[...], axis=1, keepdims=True) + tc_ref[...]
    p = jnp.exp(t_ref[...]) / s
    o_ref[...] = -jnp.mean(jnp.log(p + 1e-6)).reshape(1, 1)


def kernel(input, target):
    b, c = input.shape
    x_flat = input.reshape(-1)
    tgt = target.astype(jnp.int32)
    mesh = plsc.VectorSubcoreMesh(core_axis_name="c", subcore_axis_name="s")
    rw = b // _NW

    sc = pl.kernel(
        functools.partial(_sc_body, nrows=b, ncols=c, col0=_SPLIT),
        out_type=[
            jax.ShapeDtypeStruct((b * _L,), jnp.float32),
            jax.ShapeDtypeStruct((b,), jnp.float32),
        ],
        mesh=mesh,
        scratch_types=[
            pltpu.VMEM((_SC_CH,), jnp.float32),
            pltpu.VMEM((_SC_CH,), jnp.float32),
            pltpu.VMEM((rw * _L,), jnp.float32),
            pltpu.VMEM((b,), jnp.int32),
            pltpu.VMEM((b,), jnp.int32),
            pltpu.VMEM((b,), jnp.float32),
            pltpu.SemaphoreType.DMA,
            pltpu.SemaphoreType.DMA,
            pltpu.SemaphoreType.DMA,
        ],
    )
    sc_sums_flat, tvals = sc(x_flat, tgt)

    nsteps = pl.cdiv(_SPLIT, _W * _K)
    nblocks = pl.cdiv(_SPLIT, _W)

    def _x_spec(k):
        return pl.BlockSpec(
            (b, _W), lambda j, _k=k: (0, jnp.minimum(j * _K + _k, nblocks - 1))
        )

    tc_sums = pl.pallas_call(
        functools.partial(
            _tc_sum_kernel, nsteps=nsteps, width=_W, ncols=_SPLIT, nstreams=_K
        ),
        grid=(nsteps,),
        in_specs=[_x_spec(k) for k in range(_K)],
        out_specs=pl.BlockSpec((b, 1), lambda j: (0, 0)),
        out_shape=jax.ShapeDtypeStruct((b, 1), jnp.float32),
        scratch_shapes=[pltpu.VMEM((b, 1), jnp.float32)],
    )(*([input] * _K))

    out = pl.pallas_call(
        _finish_kernel,
        out_shape=jax.ShapeDtypeStruct((1, 1), jnp.float32),
    )(sc_sums_flat.reshape(b, _L), tc_sums, tvals.reshape(b, 1))
    return out[0, 0]

# --- scband reference (transcript-rebuilt; emitter-appended) ---
"""Pipeline reference for scband-focal-top-loss-83854941487537 (READ-ONLY COPY).

The authoritative reference and input builder live on the scoring server;
editing this copy changes nothing except your own understanding.
"""

import jax, jax.numpy as jnp
import numpy as np

TOP_PERCENT = 0.7
B = 128
C = 100000


def setup_inputs(seed: int = 0) -> dict:
    key = jax.random.key(seed)
    k1, k2 = jax.random.split(key)
    inp = jax.random.normal(k1, (B, C), dtype=jnp.float32)
    target = jax.random.randint(k2, (B,), 0, C, dtype=jnp.int32)
    return {"input": inp, "target": target}


def reference(input, target):
    vec = input
    exps = jnp.exp(vec)
    num_classes = exps.shape[1]
    one_hot_pos = jax.nn.one_hot(target, num_classes, dtype=exps.dtype)
    one_hot_neg = 1.0 - one_hot_pos
    neg_mask = one_hot_neg > 0
    pos_mask = one_hot_pos > 0
    # neg_exps: exps at negative positions, 0 elsewhere
    neg_exps = jnp.where(neg_mask, exps, 0.0)
    ori_neg_exps = neg_exps  # unnormalized copy (torch aliasing then reassign)
    neg_norm = neg_exps / jnp.sum(neg_exps, axis=1, keepdims=True)
    # new_exps: exps at positive positions, 0 elsewhere
    new_exps = jnp.where(pos_mask, exps, 0.0)
    # sort descending along class dim
    sorted_desc = jnp.sort(neg_norm, axis=1)[:, ::-1]
    sorted_cum_sum = jnp.cumsum(sorted_desc, axis=1)
    sorted_cum_diff = jnp.abs(sorted_cum_sum - TOP_PERCENT)
    sorted_cum_min_indices = jnp.argmin(sorted_cum_diff, axis=1)
    rows = jnp.arange(sorted_desc.shape[0])
    min_values = sorted_desc[rows, sorted_cum_min_indices]
    min_values = min_values[:, None] * jnp.sum(ori_neg_exps, axis=1, keepdims=True)
    # zero out negatives below threshold
    ori_neg_exps = jnp.where(ori_neg_exps < min_values, 0.0, ori_neg_exps)
    # place surviving negative exps into new_exps at negative positions
    new_exps = jnp.where(neg_mask, ori_neg_exps, new_exps)
    masked_sums = jnp.sum(exps, axis=1, keepdims=True)
    masked_sim = new_exps / masked_sums
    # nll_loss on log(masked_sim + 1e-6) with mean reduction
    logp = jnp.log(masked_sim + 1e-6)
    loss = -jnp.mean(logp[rows, target])
    return loss


if False:  # reference __main__ guard neutralized (emitter)
    out = reference(**setup_inputs())
    print(out)

if __name__ == "__main__":
    import jax
    _d = setup_inputs()
    print(jax.jit(kernel)(*tuple(_d.values())))

</pallas_src>

<mosaic_0001>
#map = affine_map<(d0, d1) -> (0)>
module attributes {stable_mosaic.version = 14 : i64} {
  func.func @_sc_body(%arg0: i32, %arg1: i32, %arg2: memref<12800000xf32, #tpu.memory_space<hbm>>, %arg3: memref<128xi32, #tpu.memory_space<hbm>>, %arg4: memref<2048xf32, #tpu.memory_space<hbm>>, %arg5: memref<128xf32, #tpu.memory_space<hbm>>, %arg6: memref<14000xf32, #tpu.memory_space<vmem>>, %arg7: memref<14000xf32, #tpu.memory_space<vmem>>, %arg8: memref<64xf32, #tpu.memory_space<vmem>>, %arg9: memref<128xi32, #tpu.memory_space<vmem>>, %arg10: memref<128xi32, #tpu.memory_space<vmem>>, %arg11: memref<128xf32, #tpu.memory_space<vmem>>, %arg12: memref<!tpu.dma_semaphore, #tpu.memory_space<semaphore_mem>>, %arg13: memref<!tpu.dma_semaphore, #tpu.memory_space<semaphore_mem>>, %arg14: memref<!tpu.dma_semaphore, #tpu.memory_space<semaphore_mem>>) attributes {dimension_semantics = [#tpu.dimension_semantics<core_parallel>, #tpu.dimension_semantics<subcore_parallel>], iteration_bounds = array<i64: 2, 16>, scalar_prefetch = 0 : i64, scratch_operands = 9 : i64, tpu.core_type = #tpu.core_type<sc_vector_subcore>, window_params = [{transform_indices = #map}, {transform_indices = #map}, {transform_indices = #map}, {transform_indices = #map}]} {
    %mul3A = arith.constant 2 : i32
    %mul3A_0 = arith.muli %arg1, %mul3A : i32
    %add3A = arith.addi %mul3A_0, %arg0 : i32
    %mul3A_1 = arith.constant 4 : i32
    %mul3A_2 = arith.muli %add3A, %mul3A_1 : i32
    %add3A_3 = arith.constant 0 : i32
    %add3A_4 = arith.addi %mul3A_2, %add3A_3 : i32
    %mul3A_5 = arith.constant 100000 : i32
    %mul3A_6 = arith.muli %add3A_4, %mul3A_5 : i32
    %add3A_7 = arith.constant 72000 : i32
    %add3A_8 = arith.addi %mul3A_6, %add3A_7 : i32
    %add3A_9 = arith.constant 0 : i32
    %add3A_10 = arith.addi %add3A_8, %add3A_9 : i32
    %dma_start3A = tpu.memref_slice %arg2[%add3A_10] : memref<12800000xf32, #tpu.memory_space<hbm>> -> memref<14000xf32, #tpu.memory_space<hbm>>
    %dma_start3A_11 = tpu.memref_slice %arg2[%add3A_10] : memref<12800000xf32, #tpu.memory_space<hbm>> -> memref<14000xf32, #tpu.memory_space<hbm>>
    tpu.enqueue_dma source(%dma_start3A_11 : memref<14000xf32, #tpu.memory_space<hbm>>) target(%arg6 : memref<14000xf32, #tpu.memory_space<vmem>>) target_semaphore(%arg12 : memref<!tpu.dma_semaphore, #tpu.memory_space<semaphore_mem>>)
    %add3A_12 = arith.constant 0 : i32
    %add3A_13 = arith.addi %mul3A_2, %add3A_12 : i32
    %mul3A_14 = arith.constant 100000 : i32
    %mul3A_15 = arith.muli %add3A_13, %mul3A_14 : i32
    %add3A_16 = arith.constant 72000 : i32
    %add3A_17 = arith.addi %mul3A_15, %add3A_16 : i32
    %add3A_18 = arith.constant 14000 : i32
    %add3A_19 = arith.addi %add3A_17, %add3A_18 : i32
    %dma_start3A_20 = tpu.memref_slice %arg2[%add3A_19] : memref<12800000xf32, #tpu.memory_space<hbm>> -> memref<14000xf32, #tpu.memory_space<hbm>>
    %dma_start3A_21 = tpu.memref_slice %arg2[%add3A_19] : memref<12800000xf32, #tpu.memory_space<hbm>> -> memref<14000xf32, #tpu.memory_space<hbm>>
    tpu.enqueue_dma source(%dma_start3A_21 : memref<14000xf32, #tpu.memory_space<hbm>>) target(%arg7 : memref<14000xf32, #tpu.memory_space<vmem>>) target_semaphore(%arg13 : memref<!tpu.dma_semaphore, #tpu.memory_space<semaphore_mem>>)
    %dma_wait3A = tpu.memref_slice %arg2[%add3A_10] : memref<12800000xf32, #tpu.memory_space<hbm>> -> memref<14000xf32, #tpu.memory_space<hbm>>
    %dma_wait3A_22 = tpu.memref_slice %arg2[%add3A_10] : memref<12800000xf32, #tpu.memory_space<hbm>> -> memref<14000xf32, #tpu.memory_space<hbm>>
    tpu.wait_dma2 semaphore(%arg12 : memref<!tpu.dma_semaphore, #tpu.memory_space<semaphore_mem>>) src(%dma_wait3A_22 : memref<14000xf32, #tpu.memory_space<hbm>>) dst(%arg6 : memref<14000xf32, #tpu.memory_space<vmem>>)
    %broadcast_in_dim3A = arith.constant 0.000000e+00 : f32
    %broadcast_in_dim3A_23 = vector.broadcast %broadcast_in_dim3A : f32 to vector<16xf32>
    %broadcast_in_dim3A_24 = arith.constant 0.000000e+00 : f32
    %broadcast_in_dim3A_25 = vector.broadcast %broadcast_in_dim3A_24 : f32 to vector<16xf32>
    %broadcast_in_dim3A_26 = arith.constant 0.000000e+00 : f32
    %broadcast_in_dim3A_27 = vector.broadcast %broadcast_in_dim3A_26 : f32 to vector<16xf32>
    %broadcast_in_dim3A_28 = arith.constant 0.000000e+00 : f32
    %broadcast_in_dim3A_29 = vector.broadcast %broadcast_in_dim3A_28 : f32 to vector<16xf32>
    %broadcast_in_dim3A_30 = arith.constant 0.000000e+00 : f32
    %broadcast_in_dim3A_31 = vector.broadcast %broadcast_in_dim3A_30 : f32 to vector<16xf32>
    %scan3A = arith.constant 0 : i32
    %scan3A_32 = arith.constant 175 : i32
    %scan3A_33 = arith.addi %scan3A, %scan3A_32 : i32
    %scan3A_34 = arith.constant 1 : i32
    %scan3A_35:5 = scf.for %scan3A_218 = %scan3A to %scan3A_33 step %scan3A_34 iter_args(%scan3A_219 = %broadcast_in_dim3A_23, %scan3A_220 = %broadcast_in_dim3A_25, %scan3A_221 = %broadcast_in_dim3A_27, %scan3A_222 = %broadcast_in_dim3A_29, %scan3A_223 = %broadcast_in_dim3A_31) -> (vector<16xf32>, vector<16xf32>, vector<16xf32>, vector<16xf32>, vector<16xf32>)  : i32 {
      %mul3A_224 = arith.constant 80 : i32
      %mul3A_225 = arith.muli %scan3A_218, %mul3A_224 : i32
      %add3A_226 = arith.constant 0 : i32
      %add3A_227 = arith.addi %mul3A_225, %add3A_226 : i32
      %multiple_of3A = tpu.assume_multiple %add3A_227, 16 : i32
      %get3A = arith.index_cast %multiple_of3A : i32 to index
      %get3A_228 = tpu.vector_load %arg6[%get3A] {strides = array<i32>} : memref<14000xf32, #tpu.memory_space<vmem>>, vector<16xf32>,
      %get3A_229 = vector.shape_cast %get3A_228 : vector<16xf32> to vector<16xf32>
      %exp3A = math.exp %get3A_229 : vector<16xf32>
      %add3A_230 = arith.addf %scan3A_219, %exp3A : vector<16xf32>
      %mul3A_231 = arith.constant 80 : i32
      %mul3A_232 = arith.muli %scan3A_218, %mul3A_231 : i32
      %add3A_233 = arith.constant 16 : i32
      %add3A_234 = arith.addi %mul3A_232, %add3A_233 : i32
      %multiple_of3A_235 = tpu.assume_multiple %add3A_234, 16 : i32
      %get3A_236 = arith.index_cast %multiple_of3A_235 : i32 to index
      %get3A_237 = tpu.vector_load %arg6[%get3A_236] {strides = array<i32>} : memref<14000xf32, #tpu.memory_space<vmem>>, vector<16xf32>,
      %get3A_238 = vector.shape_cast %get3A_237 : vector<16xf32> to vector<16xf32>
      %exp3A_239 = math.exp %get3A_238 : vector<16xf32>
      %add3A_240 = arith.addf %scan3A_220, %exp3A_239 : vector<16xf32>
      %mul3A_241 = arith.constant 80 : i32
      %mul3A_242 = arith.muli %scan3A_218, %mul3A_241 : i32
      %add3A_243 = arith.constant 32 : i32
      %add3A_244 = arith.addi %mul3A_242, %add3A_243 : i32
      %multiple_of3A_245 = tpu.assume_multiple %add3A_244, 16 : i32
      %get3A_246 = arith.index_cast %multiple_of3A_245 : i32 to index
      %get3A_247 = tpu.vector_load %arg6[%get3A_246] {strides = array<i32>} : memref<14000xf32, #tpu.memory_space<vmem>>, vector<16xf32>,
      %get3A_248 = vector.shape_cast %get3A_247 : vector<16xf32> to vector<16xf32>
      %exp3A_249 = math.exp %get3A_248 : vector<16xf32>
      %add3A_250 = arith.addf %scan3A_221, %exp3A_249 : vector<16xf32>
      %mul3A_251 = arith.constant 80 : i32
      %mul3A_252 = arith.muli %scan3A_218, %mul3A_251 : i32
      %add3A_253 = arith.constant 48 : i32
      %add3A_254 = arith.addi %mul3A_252, %add3A_253 : i32
      %multiple_of3A_255 = tpu.assume_multiple %add3A_254, 16 : i32
      %get3A_256 = arith.index_cast %multiple_of3A_255 : i32 to index
      %get3A_257 = tpu.vector_load %arg6[%get3A_256] {strides = array<i32>} : memref<14000xf32, #tpu.memory_space<vmem>>, vector<16xf32>,
      %get3A_258 = vector.shape_cast %get3A_257 : vector<16xf32> to vector<16xf32>
      %exp3A_259 = math.exp %get3A_258 : vector<16xf32>
      %add3A_260 = arith.addf %scan3A_222, %exp3A_259 : vector<16xf32>
      %mul3A_261 = arith.constant 80 : i32
      %mul3A_262 = arith.muli %scan3A_218, %mul3A_261 : i32
      %add3A_263 = arith.constant 64 : i32
      %add3A_264 = arith.addi %mul3A_262, %add3A_263 : i32
      %multiple_of3A_265 = tpu.assume_multiple %add3A_264, 16 : i32
      %get3A_266 = arith.index_cast %multiple_of3A_265 : i32 to index
      %get3A_267 = tpu.vector_load %arg6[%get3A_266] {strides = array<i32>} : memref<14000xf32, #tpu.memory_space<vmem>>, vector<16xf32>,
      %get3A_268 = vector.shape_cast %get3A_267 : vector<16xf32> to vector<16xf32>
      %exp3A_269 = math.exp %get3A_268 : vector<16xf32>
      %add3A_270 = arith.addf %scan3A_223, %exp3A_269 : vector<16xf32>
      scf.yield %add3A_230, %add3A_240, %add3A_250, %add3A_260, %add3A_270 : vector<16xf32>, vector<16xf32>, vector<16xf32>, vector<16xf32>, vector<16xf32>
    }
    %scan3A_36 = arith.constant 175 : i32
    %add3A_37 = arith.constant 1 : i32
    %add3A_38 = arith.addi %mul3A_2, %add3A_37 : i32
    %mul3A_39 = arith.constant 100000 : i32
    %mul3A_40 = arith.muli %add3A_38, %mul3A_39 : i32
    %add3A_41 = arith.constant 72000 : i32
    %add3A_42 = arith.addi %mul3A_40, %add3A_41 : i32
    %add3A_43 = arith.constant 0 : i32
    %add3A_44 = arith.addi %add3A_42, %add3A_43 : i32
    %dma_start3A_45 = tpu.memref_slice %arg2[%add3A_44] : memref<12800000xf32, #tpu.memory_space<hbm>> -> memref<14000xf32, #tpu.memory_space<hbm>>
    %dma_start3A_46 = tpu.memref_slice %arg2[%add3A_44] : memref<12800000xf32, #tpu.memory_space<hbm>> -> memref<14000xf32, #tpu.memory_space<hbm>>
    tpu.enqueue_dma source(%dma_start3A_46 : memref<14000xf32, #tpu.memory_space<hbm>>) target(%arg6 : memref<14000xf32, #tpu.memory_space<vmem>>) target_semaphore(%arg12 : memref<!tpu.dma_semaphore, #tpu.memory_space<semaphore_mem>>)
    %dma_wait3A_47 = tpu.memref_slice %arg2[%add3A_19] : memref<12800000xf32, #tpu.memory_space<hbm>> -> memref<14000xf32, #tpu.memory_space<hbm>>
    %dma_wait3A_48 = tpu.memref_slice %arg2[%add3A_19] : memref<12800000xf32, #tpu.memory_space<hbm>> -> memref<14000xf32, #tpu.memory_space<hbm>>
    tpu.wait_dma2 semaphore(%arg13 : memref<!tpu.dma_semaphore, #tpu.memory_space<semaphore_mem>>) src(%dma_wait3A_48 : memref<14000xf32, #tpu.memory_space<hbm>>) dst(%arg7 : memref<14000xf32, #tpu.memory_space<vmem>>)
    %scan3A_49 = arith.constant 0 : i32
    %scan3A_50 = arith.constant 175 : i32
    %scan3A_51 = arith.addi %scan3A_49, %scan3A_50 : i32
    %scan3A_52 = arith.constant 1 : i32
    %scan3A_53:5 = scf.for %scan3A_218 = %scan3A_49 to %scan3A_51 step %scan3A_52 iter_args(%scan3A_219 = %scan3A_35#0, %scan3A_220 = %scan3A_35#1, %scan3A_221 = %scan3A_35#2, %scan3A_222 = %scan3A_35#3, %scan3A_223 = %scan3A_35#4) -> (vector<16xf32>, vector<16xf32>, vector<16xf32>, vector<16xf32>, vector<16xf32>)  : i32 {
      %mul3A_224 = arith.constant 80 : i32
      %mul3A_225 = arith.muli %scan3A_218, %mul3A_224 : i32
      %add3A_226 = arith.constant 0 : i32
      %add3A_227 = arith.addi %mul3A_225, %add3A_226 : i32
      %multiple_of3A = tpu.assume_multiple %add3A_227, 16 : i32
      %get3A = arith.index_cast %multiple_of3A : i32 to index
      %get3A_228 = tpu.vector_load %arg7[%get3A] {strides = array<i32>} : memref<14000xf32, #tpu.memory_space<vmem>>, vector<16xf32>,
      %get3A_229 = vector.shape_cast %get3A_228 : vector<16xf32> to vector<16xf32>
      %exp3A = math.exp %get3A_229 : vector<16xf32>
      %add3A_230 = arith.addf %scan3A_219, %exp3A : vector<16xf32>
      %mul3A_231 = arith.constant 80 : i32
      %mul3A_232 = arith.muli %scan3A_218, %mul3A_231 : i32
      %add3A_233 = arith.constant 16 : i32
      %add3A_234 = arith.addi %mul3A_232, %add3A_233 : i32
      %multiple_of3A_235 = tpu.assume_multiple %add3A_234, 16 : i32
      %get3A_236 = arith.index_cast %multiple_of3A_235 : i32 to index
      %get3A_237 = tpu.vector_load %arg7[%get3A_236] {strides = array<i32>} : memref<14000xf32, #tpu.memory_space<vmem>>, vector<16xf32>,
      %get3A_238 = vector.shape_cast %get3A_237 : vector<16xf32> to vector<16xf32>
      %exp3A_239 = math.exp %get3A_238 : vector<16xf32>
      %add3A_240 = arith.addf %scan3A_220, %exp3A_239 : vector<16xf32>
      %mul3A_241 = arith.constant 80 : i32
      %mul3A_242 = arith.muli %scan3A_218, %mul3A_241 : i32
      %add3A_243 = arith.constant 32 : i32
      %add3A_244 = arith.addi %mul3A_242, %add3A_243 : i32
      %multiple_of3A_245 = tpu.assume_multiple %add3A_244, 16 : i32
      %get3A_246 = arith.index_cast %multiple_of3A_245 : i32 to index
      %get3A_247 = tpu.vector_load %arg7[%get3A_246] {strides = array<i32>} : memref<14000xf32, #tpu.memory_space<vmem>>, vector<16xf32>,
      %get3A_248 = vector.shape_cast %get3A_247 : vector<16xf32> to vector<16xf32>
      %exp3A_249 = math.exp %get3A_248 : vector<16xf32>
      %add3A_250 = arith.addf %scan3A_221, %exp3A_249 : vector<16xf32>
      %mul3A_251 = arith.constant 80 : i32
      %mul3A_252 = arith.muli %scan3A_218, %mul3A_251 : i32
      %add3A_253 = arith.constant 48 : i32
      %add3A_254 = arith.addi %mul3A_252, %add3A_253 : i32
      %multiple_of3A_255 = tpu.assume_multiple %add3A_254, 16 : i32
      %get3A_256 = arith.index_cast %multiple_of3A_255 : i32 to index
      %get3A_257 = tpu.vector_load %arg7[%get3A_256] {strides = array<i32>} : memref<14000xf32, #tpu.memory_space<vmem>>, vector<16xf32>,
      %get3A_258 = vector.shape_cast %get3A_257 : vector<16xf32> to vector<16xf32>
      %exp3A_259 = math.exp %get3A_258 : vector<16xf32>
      %add3A_260 = arith.addf %scan3A_222, %exp3A_259 : vector<16xf32>
      %mul3A_261 = arith.constant 80 : i32
      %mul3A_262 = arith.muli %scan3A_218, %mul3A_261 : i32
      %add3A_263 = arith.constant 64 : i32
      %add3A_264 = arith.addi %mul3A_262, %add3A_263 : i32
      %multiple_of3A_265 = tpu.assume_multiple %add3A_264, 16 : i32
      %get3A_266 = arith.index_cast %multiple_of3A_265 : i32 to index
      %get3A_267 = tpu.vector_load %arg7[%get3A_266] {strides = array<i32>} : memref<14000xf32, #tpu.memory_space<vmem>>, vector<16xf32>,
      %get3A_268 = vector.shape_cast %get3A_267 : vector<16xf32> to vector<16xf32>
      %exp3A_269 = math.exp %get3A_268 : vector<16xf32>
      %add3A_270 = arith.addf %scan3A_223, %exp3A_269 : vector<16xf32>
      scf.yield %add3A_230, %add3A_240, %add3A_250, %add3A_260, %add3A_270 : vector<16xf32>, vector<16xf32>, vector<16xf32>, vector<16xf32>, vector<16xf32>
    }
    %scan3A_54 = arith.constant 175 : i32
    %add3A_55 = arith.addf %scan3A_53#0, %scan3A_53#1 : vector<16xf32>
    %add3A_56 = arith.addf %add3A_55, %scan3A_53#2 : vector<16xf32>
    %add3A_57 = arith.addf %add3A_56, %scan3A_53#3 : vector<16xf32>
    %add3A_58 = arith.addf %add3A_57, %scan3A_53#4 : vector<16xf32>
    %swap3A = arith.constant 0 : index
    %swap3A_59 = tpu.vector_load %arg8[%swap3A] {strides = array<i32>} : memref<64xf32, #tpu.memory_space<vmem>>, vector<16xf32>,
    %swap3A_60 = vector.shape_cast %swap3A_59 : vector<16xf32> to vector<16xf32>
    %swap3A_61 = vector.shape_cast %add3A_58 : vector<16xf32> to vector<16xf32>
    tpu.vector_store %arg8[%swap3A], %swap3A_61 {strides = array<i32>} : memref<64xf32, #tpu.memory_space<vmem>>, vector<16xf32>,
    %add3A_62 = arith.constant 1 : i32
    %add3A_63 = arith.addi %mul3A_2, %add3A_62 : i32
    %mul3A_64 = arith.constant 100000 : i32
    %mul3A_65 = arith.muli %add3A_63, %mul3A_64 : i32
    %add3A_66 = arith.constant 72000 : i32
    %add3A_67 = arith.addi %mul3A_65, %add3A_66 : i32
    %add3A_68 = arith.constant 14000 : i32
    %add3A_69 = arith.addi %add3A_67, %add3A_68 : i32
    %dma_start3A_70 = tpu.memref_slice %arg2[%add3A_69] : memref<12800000xf32, #tpu.memory_space<hbm>> -> memref<14000xf32, #tpu.memory_space<hbm>>
    %dma_start3A_71 = tpu.memref_slice %arg2[%add3A_69] : memref<12800000xf32, #tpu.memory_space<hbm>> -> memref<14000xf32, #tpu.memory_space<hbm>>
    tpu.enqueue_dma source(%dma_start3A_71 : memref<14000xf32, #tpu.memory_space<hbm>>) target(%arg7 : memref<14000xf32, #tpu.memory_space<vmem>>) target_semaphore(%arg13 : memref<!tpu.dma_semaphore, #tpu.memory_space<semaphore_mem>>)
    %dma_wait3A_72 = tpu.memref_slice %arg2[%add3A_44] : memref<12800000xf32, #tpu.memory_space<hbm>> -> memref<14000xf32, #tpu.memory_space<hbm>>
    %dma_wait3A_73 = tpu.memref_slice %arg2[%add3A_44] : memref<12800000xf32, #tpu.memory_space<hbm>> -> memref<14000xf32, #tpu.memory_space<hbm>>
    tpu.wait_dma2 semaphore(%arg12 : memref<!tpu.dma_semaphore, #tpu.memory_space<semaphore_mem>>) src(%dma_wait3A_73 : memref<14000xf32, #tpu.memory_space<hbm>>) dst(%arg6 : memref<14000xf32, #tpu.memory_space<vmem>>)
    %broadcast_in_dim3A_74 = arith.constant 0.000000e+00 : f32
    %broadcast_in_dim3A_75 = vector.broadcast %broadcast_in_dim3A_74 : f32 to vector<16xf32>
    %broadcast_in_dim3A_76 = arith.constant 0.000000e+00 : f32
    %broadcast_in_dim3A_77 = vector.broadcast %broadcast_in_dim3A_76 : f32 to vector<16xf32>
    %broadcast_in_dim3A_78 = arith.constant 0.000000e+00 : f32
    %broadcast_in_dim3A_79 = vector.broadcast %broadcast_in_dim3A_78 : f32 to vector<16xf32>
    %broadcast_in_dim3A_80 = arith.constant 0.000000e+00 : f32
    %broadcast_in_dim3A_81 = vector.broadcast %broadcast_in_dim3A_80 : f32 to vector<16xf32>
    %broadcast_in_dim3A_82 = arith.constant 0.000000e+00 : f32
    %broadcast_in_dim3A_83 = vector.broadcast %broadcast_in_dim3A_82 : f32 to vector<16xf32>
    %scan3A_84 = arith.constant 0 : i32
    %scan3A_85 = arith.constant 175 : i32
    %scan3A_86 = arith.addi %scan3A_84, %scan3A_85 : i32
    %scan3A_87 = arith.constant 1 : i32
    %scan3A_88:5 = scf.for %scan3A_218 = %scan3A_84 to %scan3A_86 step %scan3A_87 iter_args(%scan3A_219 = %broadcast_in_dim3A_75, %scan3A_220 = %broadcast_in_dim3A_77, %scan3A_221 = %broadcast_in_dim3A_79, %scan3A_222 = %broadcast_in_dim3A_81, %scan3A_223 = %broadcast_in_dim3A_83) -> (vector<16xf32>, vector<16xf32>, vector<16xf32>, vector<16xf32>, vector<16xf32>)  : i32 {
      %mul3A_224 = arith.constant 80 : i32
      %mul3A_225 = arith.muli %scan3A_218, %mul3A_224 : i32
      %add3A_226 = arith.constant 0 : i32
      %add3A_227 = arith.addi %mul3A_225, %add3A_226 : i32
      %multiple_of3A = tpu.assume_multiple %add3A_227, 16 : i32
      %get3A = arith.index_cast %multiple_of3A : i32 to index
      %get3A_228 = tpu.vector_load %arg6[%get3A] {strides = array<i32>} : memref<14000xf32, #tpu.memory_space<vmem>>, vector<16xf32>,
      %get3A_229 = vector.shape_cast %get3A_228 : vector<16xf32> to vector<16xf32>
      %exp3A = math.exp %get3A_229 : vector<16xf32>
      %add3A_230 = arith.addf %scan3A_219, %exp3A : vector<16xf32>
      %mul3A_231 = arith.constant 80 : i32
      %mul3A_232 = arith.muli %scan3A_218, %mul3A_231 : i32
      %add3A_233 = arith.constant 16 : i32
      %add3A_234 = arith.addi %mul3A_232, %add3A_233 : i32
      %multiple_of3A_235 = tpu.assume_multiple %add3A_234, 16 : i32
      %get3A_236 = arith.index_cast %multiple_of3A_235 : i32 to index
      %get3A_237 = tpu.vector_load %arg6[%get3A_236] {strides = array<i32>} : memref<14000xf32, #tpu.memory_space<vmem>>, vector<16xf32>,
      %get3A_238 = vector.shape_cast %get3A_237 : vector<16xf32> to vector<16xf32>
      %exp3A_239 = math.exp %get3A_238 : vector<16xf32>
      %add3A_240 = arith.addf %scan3A_220, %exp3A_239 : vector<16xf32>
      %mul3A_241 = arith.constant 80 : i32
      %mul3A_242 = arith.muli %scan3A_218, %mul3A_241 : i32
      %add3A_243 = arith.constant 32 : i32
      %add3A_244 = arith.addi %mul3A_242, %add3A_243 : i32
      %multiple_of3A_245 = tpu.assume_multiple %add3A_244, 16 : i32
      %get3A_246 = arith.index_cast %multiple_of3A_245 : i32 to index
      %get3A_247 = tpu.vector_load %arg6[%get3A_246] {strides = array<i32>} : memref<14000xf32, #tpu.memory_space<vmem>>, vector<16xf32>,
      %get3A_248 = vector.shape_cast %get3A_247 : vector<16xf32> to vector<16xf32>
      %exp3A_249 = math.exp %get3A_248 : vector<16xf32>
      %add3A_250 = arith.addf %scan3A_221, %exp3A_249 : vector<16xf32>
      %mul3A_251 = arith.constant 80 : i32
      %mul3A_252 = arith.muli %scan3A_218, %mul3A_251 : i32
      %add3A_253 = arith.constant 48 : i32
      %add3A_254 = arith.addi %mul3A_252, %add3A_253 : i32
      %multiple_of3A_255 = tpu.assume_multiple %add3A_254, 16 : i32
      %get3A_256 = arith.index_cast %multiple_of3A_255 : i32 to index
      %get3A_257 = tpu.vector_load %arg6[%get3A_256] {strides = array<i32>} : memref<14000xf32, #tpu.memory_space<vmem>>, vector<16xf32>,
      %get3A_258 = vector.shape_cast %get3A_257 : vector<16xf32> to vector<16xf32>
      %exp3A_259 = math.exp %get3A_258 : vector<16xf32>
      %add3A_260 = arith.addf %scan3A_222, %exp3A_259 : vector<16xf32>
      %mul3A_261 = arith.constant 80 : i32
      %mul3A_262 = arith.muli %scan3A_218, %mul3A_261 : i32
      %add3A_263 = arith.constant 64 : i32
      %add3A_264 = arith.addi %mul3A_262, %add3A_263 : i32
      %multiple_of3A_265 = tpu.assume_multiple %add3A_264, 16 : i32
      %get3A_266 = arith.index_cast %multiple_of3A_265 : i32 to index
      %get3A_267 = tpu.vector_load %arg6[%get3A_266] {strides = array<i32>} : memref<14000xf32, #tpu.memory_space<vmem>>, vector<16xf32>,
      %get3A_268 = vector.shape_cast %get3A_267 : vector<16xf32> to vector<16xf32>
      %exp3A_269 = math.exp %get3A_268 : vector<16xf32>
      %add3A_270 = arith.addf %scan3A_223, %exp3A_269 : vector<16xf32>
      scf.yield %add3A_230, %add3A_240, %add3A_250, %add3A_260, %add3A_270 : vector<16xf32>, vector<16xf32>, vector<16xf32>, vector<16xf32>, vector<16xf32>
    }
    %scan3A_89 = arith.constant 175 : i32
    %add3A_90 = arith.constant 2 : i32
    %add3A_91 = arith.addi %mul3A_2, %add3A_90 : i32
    %mul3A_92 = arith.constant 100000 : i32
    %mul3A_93 = arith.muli %add3A_91, %mul3A_92 : i32
    %add3A_94 = arith.constant 72000 : i32
    %add3A_95 = arith.addi %mul3A_93, %add3A_94 : i32
    %add3A_96 = arith.constant 0 : i32
    %add3A_97 = arith.addi %add3A_95, %add3A_96 : i32
    %dma_start3A_98 = tpu.memref_slice %arg2[%add3A_97] : memref<12800000xf32, #tpu.memory_space<hbm>> -> memref<14000xf32, #tpu.memory_space<hbm>>
    %dma_start3A_99 = tpu.memref_slice %arg2[%add3A_97] : memref<12800000xf32, #tpu.memory_space<hbm>> -> memref<14000xf32, #tpu.memory_space<hbm>>
    tpu.enqueue_dma source(%dma_start3A_99 : memref<14000xf32, #tpu.memory_space<hbm>>) target(%arg6 : memref<14000xf32, #tpu.memory_space<vmem>>) target_semaphore(%arg12 : memref<!tpu.dma_semaphore, #tpu.memory_space<semaphore_mem>>)
    %dma_wait3A_100 = tpu.memref_slice %arg2[%add3A_69] : memref<12800000xf32, #tpu.memory_space<hbm>> -> memref<14000xf32, #tpu.memory_space<hbm>>
    %dma_wait3A_101 = tpu.memref_slice %arg2[%add3A_69] : memref<12800000xf32, #tpu.memory_space<hbm>> -> memref<14000xf32, #tpu.memory_space<hbm>>
    tpu.wait_dma2 semaphore(%arg13 : memref<!tpu.dma_semaphore, #tpu.memory_space<semaphore_mem>>) src(%dma_wait3A_101 : memref<14000xf32, #tpu.memory_space<hbm>>) dst(%arg7 : memref<14000xf32, #tpu.memory_space<vmem>>)
    %scan3A_102 = arith.constant 0 : i32
    %scan3A_103 = arith.constant 175 : i32
    %scan3A_104 = arith.addi %scan3A_102, %scan3A_103 : i32
    %scan3A_105 = arith.constant 1 : i32
    %scan3A_106:5 = scf.for %scan3A_218 = %scan3A_102 to %scan3A_104 step %scan3A_105 iter_args(%scan3A_219 = %scan3A_88#0, %scan3A_220 = %scan3A_88#1, %scan3A_221 = %scan3A_88#2, %scan3A_222 = %scan3A_88#3, %scan3A_223 = %scan3A_88#4) -> (vector<16xf32>, vector<16xf32>, vector<16xf32>, vector<16xf32>, vector<16xf32>)  : i32 {
      %mul3A_224 = arith.constant 80 : i32
      %mul3A_225 = arith.muli %scan3A_218, %mul3A_224 : i32
      %add3A_226 = arith.constant 0 : i32
      %add3A_227 = arith.addi %mul3A_225, %add3A_226 : i32
      %multiple_of3A = tpu.assume_multiple %add3A_227, 16 : i32
      %get3A = arith.index_cast %multiple_of3A : i32 to index
      %get3A_228 = tpu.vector_load %arg7[%get3A] {strides = array<i32>} : memref<14000xf32, #tpu.memory_space<vmem>>, vector<16xf32>,
      %get3A_229 = vector.shape_cast %get3A_228 : vector<16xf32> to vector<16xf32>
      %exp3A = math.exp %get3A_229 : vector<16xf32>
      %add3A_230 = arith.addf %scan3A_219, %exp3A : vector<16xf32>
      %mul3A_231 = arith.constant 80 : i32
      %mul3A_232 = arith.muli %scan3A_218, %mul3A_231 : i32
      %add3A_233 = arith.constant 16 : i32
      %add3A_234 = arith.addi %mul3A_232, %add3A_233 : i32
      %multiple_of3A_235 = tpu.assume_multiple %add3A_234, 16 : i32
      %get3A_236 = arith.index_cast %multiple_of3A_235 : i32 to index
      %get3A_237 = tpu.vector_load %arg7[%get3A_236] {strides = array<i32>} : memref<14000xf32, #tpu.memory_space<vmem>>, vector<16xf32>,
      %get3A_238 = vector.shape_cast %get3A_237 : vector<16xf32> to vector<16xf32>
      %exp3A_239 = math.exp %get3A_238 : vector<16xf32>
      %add3A_240 = arith.addf %scan3A_220, %exp3A_239 : vector<16xf32>
      %mul3A_241 = arith.constant 80 : i32
      %mul3A_242 = arith.muli %scan3A_218, %mul3A_241 : i32
      %add3A_243 = arith.constant 32 : i32
      %add3A_244 = arith.addi %mul3A_242, %add3A_243 : i32
      %multiple_of3A_245 = tpu.assume_multiple %add3A_244, 16 : i32
      %get3A_246 = arith.index_cast %multiple_of3A_245 : i32 to index
      %get3A_247 = tpu.vector_load %arg7[%get3A_246] {strides = array<i32>} : memref<14000xf32, #tpu.memory_space<vmem>>, vector<16xf32>,
      %get3A_248 = vector.shape_cast %get3A_247 : vector<16xf32> to vector<16xf32>
      %exp3A_249 = math.exp %get3A_248 : vector<16xf32>
      %add3A_250 = arith.addf %scan3A_221, %exp3A_249 : vector<16xf32>
      %mul3A_251 = arith.constant 80 : i32
      %mul3A_252 = arith.muli %scan3A_218, %mul3A_251 : i32
      %add3A_253 = arith.constant 48 : i32
      %add3A_254 = arith.addi %mul3A_252, %add3A_253 : i32
      %multiple_of3A_255 = tpu.assume_multiple %add3A_254, 16 : i32
      %get3A_256 = arith.index_cast %multiple_of3A_255 : i32 to index
      %get3A_257 = tpu.vector_load %arg7[%get3A_256] {strides = array<i32>} : memref<14000xf32, #tpu.memory_space<vmem>>, vector<16xf32>,
      %get3A_258 = vector.shape_cast %get3A_257 : vector<16xf32> to vector<16xf32>
      %exp3A_259 = math.exp %get3A_258 : vector<16xf32>
      %add3A_260 = arith.addf %scan3A_222, %exp3A_259 : vector<16xf32>
      %mul3A_261 = arith.constant 80 : i32
      %mul3A_262 = arith.muli %scan3A_218, %mul3A_261 : i32
      %add3A_263 = arith.constant 64 : i32
      %add3A_264 = arith.addi %mul3A_262, %add3A_263 : i32
      %multiple_of3A_265 = tpu.assume_multiple %add3A_264, 16 : i32
      %get3A_266 = arith.index_cast %multiple_of3A_265 : i32 to index
      %get3A_267 = tpu.vector_load %arg7[%get3A_266] {strides = array<i32>} : memref<14000xf32, #tpu.memory_space<vmem>>, vector<16xf32>,
      %get3A_268 = vector.shape_cast %get3A_267 : vector<16xf32> to vector<16xf32>
      %exp3A_269 = math.exp %get3A_268 : vector<16xf32>
      %add3A_270 = arith.addf %scan3A_223, %exp3A_269 : vector<16xf32>
      scf.yield %add3A_230, %add3A_240, %add3A_250, %add3A_260, %add3A_270 : vector<16xf32>, vector<16xf32>, vector<16xf32>, vector<16xf32>, vector<16xf32>
    }
    %scan3A_107 = arith.constant 175 : i32
    %add3A_108 = arith.addf %scan3A_106#0, %scan3A_106#1 : vector<16xf32>
    %add3A_109 = arith.addf %add3A_108, %scan3A_106#2 : vector<16xf32>
    %add3A_110 = arith.addf %add3A_109, %scan3A_106#3 : vector<16xf32>
    %add3A_111 = arith.addf %add3A_110, %scan3A_106#4 : vector<16xf32>
    %swap3A_112 = arith.constant 16 : index
    %swap3A_113 = tpu.vector_load %arg8[%swap3A_112] {strides = array<i32>} : memref<64xf32, #tpu.memory_space<vmem>>, vector<16xf32>,
    %swap3A_114 = vector.shape_cast %swap3A_113 : vector<16xf32> to vector<16xf32>
    %swap3A_115 = vector.shape_cast %add3A_111 : vector<16xf32> to vector<16xf32>
    tpu.vector_store %arg8[%swap3A_112], %swap3A_115 {strides = array<i32>} : memref<64xf32, #tpu.memory_space<vmem>>, vector<16xf32>,
    %add3A_116 = arith.constant 2 : i32
    %add3A_117 = arith.addi %mul3A_2, %add3A_116 : i32
    %mul3A_118 = arith.constant 100000 : i32
    %mul3A_119 = arith.muli %add3A_117, %mul3A_118 : i32
    %add3A_120 = arith.constant 72000 : i32
    %add3A_121 = arith.addi %mul3A_119, %add3A_120 : i32
    %add3A_122 = arith.constant 14000 : i32
    %add3A_123 = arith.addi %add3A_121, %add3A_122 : i32
    %dma_start3A_124 = tpu.memref_slice %arg2[%add3A_123] : memref<12800000xf32, #tpu.memory_space<hbm>> -> memref<14000xf32, #tpu.memory_space<hbm>>
    %dma_start3A_125 = tpu.memref_slice %arg2[%add3A_123] : memref<12800000xf32, #tpu.memory_space<hbm>> -> memref<14000xf32, #tpu.memory_space<hbm>>
    tpu.enqueue_dma source(%dma_start3A_125 : memref<14000xf32, #tpu.memory_space<hbm>>) target(%arg7 : memref<14000xf32, #tpu.memory_space<vmem>>) target_semaphore(%arg13 : memref<!tpu.dma_semaphore, #tpu.memory_space<semaphore_mem>>)
    %dma_wait3A_126 = tpu.memref_slice %arg2[%add3A_97] : memref<12800000xf32, #tpu.memory_space<hbm>> -> memref<14000xf32, #tpu.memory_space<hbm>>
    %dma_wait3A_127 = tpu.memref_slice %arg2[%add3A_97] : memref<12800000xf32, #tpu.memory_space<hbm>> -> memref<14000xf32, #tpu.memory_space<hbm>>
    tpu.wait_dma2 semaphore(%arg12 : memref<!tpu.dma_semaphore, #tpu.memory_space<semaphore_mem>>) src(%dma_wait3A_127 : memref<14000xf32, #tpu.memory_space<hbm>>) dst(%arg6 : memref<14000xf32, #tpu.memory_space<vmem>>)
    %broadcast_in_dim3A_128 = arith.constant 0.000000e+00 : f32
    %broadcast_in_dim3A_129 = vector.broadcast %broadcast_in_dim3A_128 : f32 to vector<16xf32>
    %broadcast_in_dim3A_130 = arith.constant 0.000000e+00 : f32
    %broadcast_in_dim3A_131 = vector.broadcast %broadcast_in_dim3A_130 : f32 to vector<16xf32>
    %broadcast_in_dim3A_132 = arith.constant 0.000000e+00 : f32
    %broadcast_in_dim3A_133 = vector.broadcast %broadcast_in_dim3A_132 : f32 to vector<16xf32>
    %broadcast_in_dim3A_134 = arith.constant 0.000000e+00 : f32
    %broadcast_in_dim3A_135 = vector.broadcast %broadcast_in_dim3A_134 : f32 to vector<16xf32>
    %broadcast_in_dim3A_136 = arith.constant 0.000000e+00 : f32
    %broadcast_in_dim3A_137 = vector.broadcast %broadcast_in_dim3A_136 : f32 to vector<16xf32>
    %scan3A_138 = arith.constant 0 : i32
    %scan3A_139 = arith.constant 175 : i32
    %scan3A_140 = arith.addi %scan3A_138, %scan3A_139 : i32
    %scan3A_141 = arith.constant 1 : i32
    %scan3A_142:5 = scf.for %scan3A_218 = %scan3A_138 to %scan3A_140 step %scan3A_141 iter_args(%scan3A_219 = %broadcast_in_dim3A_129, %scan3A_220 = %broadcast_in_dim3A_131, %scan3A_221 = %broadcast_in_dim3A_133, %scan3A_222 = %broadcast_in_dim3A_135, %scan3A_223 = %broadcast_in_dim3A_137) -> (vector<16xf32>, vector<16xf32>, vector<16xf32>, vector<16xf32>, vector<16xf32>)  : i32 {
      %mul3A_224 = arith.constant 80 : i32
      %mul3A_225 = arith.muli %scan3A_218, %mul3A_224 : i32
      %add3A_226 = arith.constant 0 : i32
      %add3A_227 = arith.addi %mul3A_225, %add3A_226 : i32
      %multiple_of3A = tpu.assume_multiple %add3A_227, 16 : i32
      %get3A = arith.index_cast %multiple_of3A : i32 to index
      %get3A_228 = tpu.vector_load %arg6[%get3A] {strides = array<i32>} : memref<14000xf32, #tpu.memory_space<vmem>>, vector<16xf32>,
      %get3A_229 = vector.shape_cast %get3A_228 : vector<16xf32> to vector<16xf32>
      %exp3A = math.exp %get3A_229 : vector<16xf32>
      %add3A_230 = arith.addf %scan3A_219, %exp3A : vector<16xf32>
      %mul3A_231 = arith.constant 80 : i32
      %mul3A_232 = arith.muli %scan3A_218, %mul3A_231 : i32
      %add3A_233 = arith.constant 16 : i32
      %add3A_234 = arith.addi %mul3A_232, %add3A_233 : i32
      %multiple_of3A_235 = tpu.assume_multiple %add3A_234, 16 : i32
      %get3A_236 = arith.index_cast %multiple_of3A_235 : i32 to index
      %get3A_237 = tpu.vector_load %arg6[%get3A_236] {strides = array<i32>} : memref<14000xf32, #tpu.memory_space<vmem>>, vector<16xf32>,
      %get3A_238 = vector.shape_cast %get3A_237 : vector<16xf32> to vector<16xf32>
      %exp3A_239 = math.exp %get3A_238 : vector<16xf32>
      %add3A_240 = arith.addf %scan3A_220, %exp3A_239 : vector<16xf32>
      %mul3A_241 = arith.constant 80 : i32
      %mul3A_242 = arith.muli %scan3A_218, %mul3A_241 : i32
      %add3A_243 = arith.constant 32 : i32
      %add3A_244 = arith.addi %mul3A_242, %add3A_243 : i32
      %multiple_of3A_245 = tpu.assume_multiple %add3A_244, 16 : i32
      %get3A_246 = arith.index_cast %multiple_of3A_245 : i32 to index
      %get3A_247 = tpu.vector_load %arg6[%get3A_246] {strides = array<i32>} : memref<14000xf32, #tpu.memory_space<vmem>>, vector<16xf32>,
      %get3A_248 = vector.shape_cast %get3A_247 : vector<16xf32> to vector<16xf32>
      %exp3A_249 = math.exp %get3A_248 : vector<16xf32>
      %add3A_250 = arith.addf %scan3A_221, %exp3A_249 : vector<16xf32>
      %mul3A_251 = arith.constant 80 : i32
      %mul3A_252 = arith.muli %scan3A_218, %mul3A_251 : i32
      %add3A_253 = arith.constant 48 : i32
      %add3A_254 = arith.addi %mul3A_252, %add3A_253 : i32
      %multiple_of3A_255 = tpu.assume_multiple %add3A_254, 16 : i32
      %get3A_256 = arith.index_cast %multiple_of3A_255 : i32 to index
      %get3A_257 = tpu.vector_load %arg6[%get3A_256] {strides = array<i32>} : memref<14000xf32, #tpu.memory_space<vmem>>, vector<16xf32>,
      %get3A_258 = vector.shape_cast %get3A_257 : vector<16xf32> to vector<16xf32>
      %exp3A_259 = math.exp %get3A_258 : vector<16xf32>
      %add3A_260 = arith.addf %scan3A_222, %exp3A_259 : vector<16xf32>
      %mul3A_261 = arith.constant 80 : i32
      %mul3A_262 = arith.muli %scan3A_218, %mul3A_261 : i32
      %add3A_263 = arith.constant 64 : i32
      %add3A_264 = arith.addi %mul3A_262, %add3A_263 : i32
      %multiple_of3A_265 = tpu.assume_multiple %add3A_264, 16 : i32
      %get3A_266 = arith.index_cast %multiple_of3A_265 : i32 to index
      %get3A_267 = tpu.vector_load %arg6[%get3A_266] {strides = array<i32>} : memref<14000xf32, #tpu.memory_space<vmem>>, vector<16xf32>,
      %get3A_268 = vector.shape_cast %get3A_267 : vector<16xf32> to vector<16xf32>
      %exp3A_269 = math.exp %get3A_268 : vector<16xf32>
      %add3A_270 = arith.addf %scan3A_223, %exp3A_269 : vector<16xf32>
      scf.yield %add3A_230, %add3A_240, %add3A_250, %add3A_260, %add3A_270 : vector<16xf32>, vector<16xf32>, vector<16xf32>, vector<16xf32>, vector<16xf32>
    }
    %scan3A_143 = arith.constant 175 : i32
    %add3A_144 = arith.constant 3 : i32
    %add3A_145 = arith.addi %mul3A_2, %add3A_144 : i32
    %mul3A_146 = arith.constant 100000 : i32
    %mul3A_147 = arith.muli %add3A_145, %mul3A_146 : i32
    %add3A_148 = arith.constant 72000 : i32
    %add3A_149 = arith.addi %mul3A_147, %add3A_148 : i32
    %add3A_150 = arith.constant 0 : i32
    %add3A_151 = arith.addi %add3A_149, %add3A_150 : i32
    %dma_start3A_152 = tpu.memref_slice %arg2[%add3A_151] : memref<12800000xf32, #tpu.memory_space<hbm>> -> memref<14000xf32, #tpu.memory_space<hbm>>
    %dma_start3A_153 = tpu.memref_slice %arg2[%add3A_151] : memref<12800000xf32, #tpu.memory_space<hbm>> -> memref<14000xf32, #tpu.memory_space<hbm>>
    tpu.enqueue_dma source(%dma_start3A_153 : memref<14000xf32, #tpu.memory_space<hbm>>) target(%arg6 : memref<14000xf32, #tpu.memory_space<vmem>>) target_semaphore(%arg12 : memref<!tpu.dma_semaphore, #tpu.memory_space<semaphore_mem>>)
    %dma_wait3A_154 = tpu.memref_slice %arg2[%add3A_123] : memref<12800000xf32, #tpu.memory_space<hbm>> -> memref<14000xf32, #tpu.memory_space<hbm>>
    %dma_wait3A_155 = tpu.memref_slice %arg2[%add3A_123] : memref<12800000xf32, #tpu.memory_space<hbm>> -> memref<14000xf32, #tpu.memory_space<hbm>>
    tpu.wait_dma2 semaphore(%arg13 : memref<!tpu.dma_semaphore, #tpu.memory_space<semaphore_mem>>) src(%dma_wait3A_155 : memref<14000xf32, #tpu.memory_space<hbm>>) dst(%arg7 : memref<14000xf32, #tpu.memory_space<vmem>>)
    %scan3A_156 = arith.constant 0 : i32
    %scan3A_157 = arith.constant 175 : i32
    %scan3A_158 = arith.addi %scan3A_156, %scan3A_157 : i32
    %scan3A_159 = arith.constant 1 : i32
    %scan3A_160:5 = scf.for %scan3A_218 = %scan3A_156 to %scan3A_158 step %scan3A_159 iter_args(%scan3A_219 = %scan3A_142#0, %scan3A_220 = %scan3A_142#1, %scan3A_221 = %scan3A_142#2, %scan3A_222 = %scan3A_142#3, %scan3A_223 = %scan3A_142#4) -> (vector<16xf32>, vector<16xf32>, vector<16xf32>, vector<16xf32>, vector<16xf32>)  : i32 {
      %mul3A_224 = arith.constant 80 : i32
      %mul3A_225 = arith.muli %scan3A_218, %mul3A_224 : i32
      %add3A_226 = arith.constant 0 : i32
      %add3A_227 = arith.addi %mul3A_225, %add3A_226 : i32
      %multiple_of3A = tpu.assume_multiple %add3A_227, 16 : i32
      %get3A = arith.index_cast %multiple_of3A : i32 to index
      %get3A_228 = tpu.vector_load %arg7[%get3A] {strides = array<i32>} : memref<14000xf32, #tpu.memory_space<vmem>>, vector<16xf32>,
      %get3A_229 = vector.shape_cast %get3A_228 : vector<16xf32> to vector<16xf32>
      %exp3A = math.exp %get3A_229 : vector<16xf32>
      %add3A_230 = arith.addf %scan3A_219, %exp3A : vector<16xf32>
      %mul3A_231 = arith.constant 80 : i32
      %mul3A_232 = arith.muli %scan3A_218, %mul3A_231 : i32
      %add3A_233 = arith.constant 16 : i32
      %add3A_234 = arith.addi %mul3A_232, %add3A_233 : i32
      %multiple_of3A_235 = tpu.assume_multiple %add3A_234, 16 : i32
      %get3A_236 = arith.index_cast %multiple_of3A_235 : i32 to index
      %get3A_237 = tpu.vector_load %arg7[%get3A_236] {strides = array<i32>} : memref<14000xf32, #tpu.memory_space<vmem>>, vector<16xf32>,
      %get3A_238 = vector.shape_cast %get3A_237 : vector<16xf32> to vector<16xf32>
      %exp3A_239 = math.exp %get3A_238 : vector<16xf32>
      %add3A_240 = arith.addf %scan3A_220, %exp3A_239 : vector<16xf32>
      %mul3A_241 = arith.constant 80 : i32
      %mul3A_242 = arith.muli %scan3A_218, %mul3A_241 : i32
      %add3A_243 = arith.constant 32 : i32
      %add3A_244 = arith.addi %mul3A_242, %add3A_243 : i32
      %multiple_of3A_245 = tpu.assume_multiple %add3A_244, 16 : i32
      %get3A_246 = arith.index_cast %multiple_of3A_245 : i32 to index
      %get3A_247 = tpu.vector_load %arg7[%get3A_246] {strides = array<i32>} : memref<14000xf32, #tpu.memory_space<vmem>>, vector<16xf32>,
      %get3A_248 = vector.shape_cast %get3A_247 : vector<16xf32> to vector<16xf32>
      %exp3A_249 = math.exp %get3A_248 : vector<16xf32>
      %add3A_250 = arith.addf %scan3A_221, %exp3A_249 : vector<16xf32>
      %mul3A_251 = arith.constant 80 : i32
      %mul3A_252 = arith.muli %scan3A_218, %mul3A_251 : i32
      %add3A_253 = arith.constant 48 : i32
      %add3A_254 = arith.addi %mul3A_252, %add3A_253 : i32
      %multiple_of3A_255 = tpu.assume_multiple %add3A_254, 16 : i32
      %get3A_256 = arith.index_cast %multiple_of3A_255 : i32 to index
      %get3A_257 = tpu.vector_load %arg7[%get3A_256] {strides = array<i32>} : memref<14000xf32, #tpu.memory_space<vmem>>, vector<16xf32>,
      %get3A_258 = vector.shape_cast %get3A_257 : vector<16xf32> to vector<16xf32>
      %exp3A_259 = math.exp %get3A_258 : vector<16xf32>
      %add3A_260 = arith.addf %scan3A_222, %exp3A_259 : vector<16xf32>
      %mul3A_261 = arith.constant 80 : i32
      %mul3A_262 = arith.muli %scan3A_218, %mul3A_261 : i32
      %add3A_263 = arith.constant 64 : i32
      %add3A_264 = arith.addi %mul3A_262, %add3A_263 : i32
      %multiple_of3A_265 = tpu.assume_multiple %add3A_264, 16 : i32
      %get3A_266 = arith.index_cast %multiple_of3A_265 : i32 to index
      %get3A_267 = tpu.vector_load %arg7[%get3A_266] {strides = array<i32>} : memref<14000xf32, #tpu.memory_space<vmem>>, vector<16xf32>,
      %get3A_268 = vector.shape_cast %get3A_267 : vector<16xf32> to vector<16xf32>
      %exp3A_269 = math.exp %get3A_268 : vector<16xf32>
      %add3A_270 = arith.addf %scan3A_223, %exp3A_269 : vector<16xf32>
      scf.yield %add3A_230, %add3A_240, %add3A_250, %add3A_260, %add3A_270 : vector<16xf32>, vector<16xf32>, vector<16xf32>, vector<16xf32>, vector<16xf32>
    }
    %scan3A_161 = arith.constant 175 : i32
    %add3A_162 = arith.addf %scan3A_160#0, %scan3A_160#1 : vector<16xf32>
    %add3A_163 = arith.addf %add3A_162, %scan3A_160#2 : vector<16xf32>
    %add3A_164 = arith.addf %add3A_163, %scan3A_160#3 : vector<16xf32>
    %add3A_165 = arith.addf %add3A_164, %scan3A_160#4 : vector<16xf32>
    %swap3A_166 = arith.constant 32 : index
    %swap3A_167 = tpu.vector_load %arg8[%swap3A_166] {strides = array<i32>} : memref<64xf32, #tpu.memory_space<vmem>>, vector<16xf32>,
    %swap3A_168 = vector.shape_cast %swap3A_167 : vector<16xf32> to vector<16xf32>
    %swap3A_169 = vector.shape_cast %add3A_165 : vector<16xf32> to vector<16xf32>
    tpu.vector_store %arg8[%swap3A_166], %swap3A_169 {strides = array<i32>} : memref<64xf32, #tpu.memory_space<vmem>>, vector<16xf32>,
    %add3A_170 = arith.constant 3 : i32
    %add3A_171 = arith.addi %mul3A_2, %add3A_170 : i32
    %mul3A_172 = arith.constant 100000 : i32
    %mul3A_173 = arith.muli %add3A_171, %mul3A_172 : i32
    %add3A_174 = arith.constant 72000 : i32
    %add3A_175 = arith.addi %mul3A_173, %add3A_174 : i32
    %add3A_176 = arith.constant 14000 : i32
    %add3A_177 = arith.addi %add3A_175, %add3A_176 : i32
    %dma_start3A_178 = tpu.memref_slice %arg2[%add3A_177] : memref<12800000xf32, #tpu.memory_space<hbm>> -> memref<14000xf32, #tpu.memory_space<hbm>>
    %dma_start3A_179 = tpu.memref_slice %arg2[%add3A_177] : memref<12800000xf32, #tpu.memory_space<hbm>> -> memref<14000xf32, #tpu.memory_space<hbm>>
    tpu.enqueue_dma source(%dma_start3A_179 : memref<14000xf32, #tpu.memory_space<hbm>>) target(%arg7 : memref<14000xf32, #tpu.memory_space<vmem>>) target_semaphore(%arg13 : memref<!tpu.dma_semaphore, #tpu.memory_space<semaphore_mem>>)
    %dma_wait3A_180 = tpu.memref_slice %arg2[%add3A_151] : memref<12800000xf32, #tpu.memory_space<hbm>> -> memref<14000xf32, #tpu.memory_space<hbm>>
    %dma_wait3A_181 = tpu.memref_slice %arg2[%add3A_151] : memref<12800000xf32, #tpu.memory_space<hbm>> -> memref<14000xf32, #tpu.memory_space<hbm>>
    tpu.wait_dma2 semaphore(%arg12 : memref<!tpu.dma_semaphore, #tpu.memory_space<semaphore_mem>>) src(%dma_wait3A_181 : memref<14000xf32, #tpu.memory_space<hbm>>) dst(%arg6 : memref<14000xf32, #tpu.memory_space<vmem>>)
    %broadcast_in_dim3A_182 = arith.constant 0.000000e+00 : f32
    %broadcast_in_dim3A_183 = vector.broadcast %broadcast_in_dim3A_182 : f32 to vector<16xf32>
    %broadcast_in_dim3A_184 = arith.constant 0.000000e+00 : f32
    %broadcast_in_dim3A_185 = vector.broadcast %broadcast_in_dim3A_184 : f32 to vector<16xf32>
    %broadcast_in_dim3A_186 = arith.constant 0.000000e+00 : f32
    %broadcast_in_dim3A_187 = vector.broadcast %broadcast_in_dim3A_186 : f32 to vector<16xf32>
    %broadcast_in_dim3A_188 = arith.constant 0.000000e+00 : f32
    %broadcast_in_dim3A_189 = vector.broadcast %broadcast_in_dim3A_188 : f32 to vector<16xf32>
    %broadcast_in_dim3A_190 = arith.constant 0.000000e+00 : f32
    %broadcast_in_dim3A_191 = vector.broadcast %broadcast_in_dim3A_190 : f32 to vector<16xf32>
    %scan3A_192 = arith.constant 0 : i32
    %scan3A_193 = arith.constant 175 : i32
    %scan3A_194 = arith.addi %scan3A_192, %scan3A_193 : i32
    %scan3A_195 = arith.constant 1 : i32
    %scan3A_196:5 = scf.for %scan3A_218 = %scan3A_192 to %scan3A_194 step %scan3A_195 iter_args(%scan3A_219 = %broadcast_in_dim3A_183, %scan3A_220 = %broadcast_in_dim3A_185, %scan3A_221 = %broadcast_in_dim3A_187, %scan3A_222 = %broadcast_in_dim3A_189, %scan3A_223 = %broadcast_in_dim3A_191) -> (vector<16xf32>, vector<16xf32>, vector<16xf32>, vector<16xf32>, vector<16xf32>)  : i32 {
      %mul3A_224 = arith.constant 80 : i32
      %mul3A_225 = arith.muli %scan3A_218, %mul3A_224 : i32
      %add3A_226 = arith.constant 0 : i32
      %add3A_227 = arith.addi %mul3A_225, %add3A_226 : i32
      %multiple_of3A = tpu.assume_multiple %add3A_227, 16 : i32
      %get3A = arith.index_cast %multiple_of3A : i32 to index
      %get3A_228 = tpu.vector_load %arg6[%get3A] {strides = array<i32>} : memref<14000xf32, #tpu.memory_space<vmem>>, vector<16xf32>,
      %get3A_229 = vector.shape_cast %get3A_228 : vector<16xf32> to vector<16xf32>
      %exp3A = math.exp %get3A_229 : vector<16xf32>
      %add3A_230 = arith.addf %scan3A_219, %exp3A : vector<16xf32>
      %mul3A_231 = arith.constant 80 : i32
      %mul3A_232 = arith.muli %scan3A_218, %mul3A_231 : i32
      %add3A_233 = arith.constant 16 : i32
      %add3A_234 = arith.addi %mul3A_232, %add3A_233 : i32
      %multiple_of3A_235 = tpu.assume_multiple %add3A_234, 16 : i32
      %get3A_236 = arith.index_cast %multiple_of3A_235 : i32 to index
      %get3A_237 = tpu.vector_load %arg6[%get3A_236] {strides = array<i32>} : memref<14000xf32, #tpu.memory_space<vmem>>, vector<16xf32>,
      %get3A_238 = vector.shape_cast %get3A_237 : vector<16xf32> to vector<16xf32>
      %exp3A_239 = math.exp %get3A_238 : vector<16xf32>
      %add3A_240 = arith.addf %scan3A_220, %exp3A_239 : vector<16xf32>
      %mul3A_241 = arith.constant 80 : i32
      %mul3A_242 = arith.muli %scan3A_218, %mul3A_241 : i32
      %add3A_243 = arith.constant 32 : i32
      %add3A_244 = arith.addi %mul3A_242, %add3A_243 : i32
      %multiple_of3A_245 = tpu.assume_multiple %add3A_244, 16 : i32
      %get3A_246 = arith.index_cast %multiple_of3A_245 : i32 to index
      %get3A_247 = tpu.vector_load %arg6[%get3A_246] {strides = array<i32>} : memref<14000xf32, #tpu.memory_space<vmem>>, vector<16xf32>,
      %get3A_248 = vector.shape_cast %get3A_247 : vector<16xf32> to vector<16xf32>
      %exp3A_249 = math.exp %get3A_248 : vector<16xf32>
      %add3A_250 = arith.addf %scan3A_221, %exp3A_249 : vector<16xf32>
      %mul3A_251 = arith.constant 80 : i32
      %mul3A_252 = arith.muli %scan3A_218, %mul3A_251 : i32
      %add3A_253 = arith.constant 48 : i32
      %add3A_254 = arith.addi %mul3A_252, %add3A_253 : i32
      %multiple_of3A_255 = tpu.assume_multiple %add3A_254, 16 : i32
      %get3A_256 = arith.index_cast %multiple_of3A_255 : i32 to index
      %get3A_257 = tpu.vector_load %arg6[%get3A_256] {strides = array<i32>} : memref<14000xf32, #tpu.memory_space<vmem>>, vector<16xf32>,
      %get3A_258 = vector.shape_cast %get3A_257 : vector<16xf32> to vector<16xf32>
      %exp3A_259 = math.exp %get3A_258 : vector<16xf32>
      %add3A_260 = arith.addf %scan3A_222, %exp3A_259 : vector<16xf32>
      %mul3A_261 = arith.constant 80 : i32
      %mul3A_262 = arith.muli %scan3A_218, %mul3A_261 : i32
      %add3A_263 = arith.constant 64 : i32
      %add3A_264 = arith.addi %mul3A_262, %add3A_263 : i32
      %multiple_of3A_265 = tpu.assume_multiple %add3A_264, 16 : i32
      %get3A_266 = arith.index_cast %multiple_of3A_265 : i32 to index
      %get3A_267 = tpu.vector_load %arg6[%get3A_266] {strides = array<i32>} : memref<14000xf32, #tpu.memory_space<vmem>>, vector<16xf32>,
      %get3A_268 = vector.shape_cast %get3A_267 : vector<16xf32> to vector<16xf32>
      %exp3A_269 = math.exp %get3A_268 : vector<16xf32>
      %add3A_270 = arith.addf %scan3A_223, %exp3A_269 : vector<16xf32>
      scf.yield %add3A_230, %add3A_240, %add3A_250, %add3A_260, %add3A_270 : vector<16xf32>, vector<16xf32>, vector<16xf32>, vector<16xf32>, vector<16xf32>
    }
    %scan3A_197 = arith.constant 175 : i32
    %dma_wait3A_198 = tpu.memref_slice %arg2[%add3A_177] : memref<12800000xf32, #tpu.memory_space<hbm>> -> memref<14000xf32, #tpu.memory_space<hbm>>
    %dma_wait3A_199 = tpu.memref_slice %arg2[%add3A_177] : memref<12800000xf32, #tpu.memory_space<hbm>> -> memref<14000xf32, #tpu.memory_space<hbm>>
    tpu.wait_dma2 semaphore(%arg13 : memref<!tpu.dma_semaphore, #tpu.memory_space<semaphore_mem>>) src(%dma_wait3A_199 : memref<14000xf32, #tpu.memory_space<hbm>>) dst(%arg7 : memref<14000xf32, #tpu.memory_space<vmem>>)
    %scan3A_200 = arith.constant 0 : i32
    %scan3A_201 = arith.constant 175 : i32
    %scan3A_202 = arith.addi %scan3A_200, %scan3A_201 : i32
    %scan3A_203 = arith.constant 1 : i32
    %scan3A_204:5 = scf.for %scan3A_218 = %scan3A_200 to %scan3A_202 step %scan3A_203 iter_args(%scan3A_219 = %scan3A_196#0, %scan3A_220 = %scan3A_196#1, %scan3A_221 = %scan3A_196#2, %scan3A_222 = %scan3A_196#3, %scan3A_223 = %scan3A_196#4) -> (vector<16xf32>, vector<16xf32>, vector<16xf32>, vector<16xf32>, vector<16xf32>)  : i32 {
      %mul3A_224 = arith.constant 80 : i32
      %mul3A_225 = arith.muli %scan3A_218, %mul3A_224 : i32
      %add3A_226 = arith.constant 0 : i32
      %add3A_227 = arith.addi %mul3A_225, %add3A_226 : i32
      %multiple_of3A = tpu.assume_multiple %add3A_227, 16 : i32
      %get3A = arith.index_cast %multiple_of3A : i32 to index
      %get3A_228 = tpu.vector_load %arg7[%get3A] {strides = array<i32>} : memref<14000xf32, #tpu.memory_space<vmem>>, vector<16xf32>,
      %get3A_229 = vector.shape_cast %get3A_228 : vector<16xf32> to vector<16xf32>
      %exp3A = math.exp %get3A_229 : vector<16xf32>
      %add3A_230 = arith.addf %scan3A_219, %exp3A : vector<16xf32>
      %mul3A_231 = arith.constant 80 : i32
      %mul3A_232 = arith.muli %scan3A_218, %mul3A_231 : i32
      %add3A_233 = arith.constant 16 : i32
      %add3A_234 = arith.addi %mul3A_232, %add3A_233 : i32
      %multiple_of3A_235 = tpu.assume_multiple %add3A_234, 16 : i32
      %get3A_236 = arith.index_cast %multiple_of3A_235 : i32 to index
      %get3A_237 = tpu.vector_load %arg7[%get3A_236] {strides = array<i32>} : memref<14000xf32, #tpu.memory_space<vmem>>, vector<16xf32>,
      %get3A_238 = vector.shape_cast %get3A_237 : vector<16xf32> to vector<16xf32>
      %exp3A_239 = math.exp %get3A_238 : vector<16xf32>
      %add3A_240 = arith.addf %scan3A_220, %exp3A_239 : vector<16xf32>
      %mul3A_241 = arith.constant 80 : i32
      %mul3A_242 = arith.muli %scan3A_218, %mul3A_241 : i32
      %add3A_243 = arith.constant 32 : i32
      %add3A_244 = arith.addi %mul3A_242, %add3A_243 : i32
      %multiple_of3A_245 = tpu.assume_multiple %add3A_244, 16 : i32
      %get3A_246 = arith.index_cast %multiple_of3A_245 : i32 to index
      %get3A_247 = tpu.vector_load %arg7[%get3A_246] {strides = array<i32>} : memref<14000xf32, #tpu.memory_space<vmem>>, vector<16xf32>,
      %get3A_248 = vector.shape_cast %get3A_247 : vector<16xf32> to vector<16xf32>
      %exp3A_249 = math.exp %get3A_248 : vector<16xf32>
      %add3A_250 = arith.addf %scan3A_221, %exp3A_249 : vector<16xf32>
      %mul3A_251 = arith.constant 80 : i32
      %mul3A_252 = arith.muli %scan3A_218, %mul3A_251 : i32
      %add3A_253 = arith.constant 48 : i32
      %add3A_254 = arith.addi %mul3A_252, %add3A_253 : i32
      %multiple_of3A_255 = tpu.assume_multiple %add3A_254, 16 : i32
      %get3A_256 = arith.index_cast %multiple_of3A_255 : i32 to index
      %get3A_257 = tpu.vector_load %arg7[%get3A_256] {strides = array<i32>} : memref<14000xf32, #tpu.memory_space<vmem>>, vector<16xf32>,
      %get3A_258 = vector.shape_cast %get3A_257 : vector<16xf32> to vector<16xf32>
      %exp3A_259 = math.exp %get3A_258 : vector<16xf32>
      %add3A_260 = arith.addf %scan3A_222, %exp3A_259 : vector<16xf32>
      %mul3A_261 = arith.constant 80 : i32
      %mul3A_262 = arith.muli %scan3A_218, %mul3A_261 : i32
      %add3A_263 = arith.constant 64 : i32
      %add3A_264 = arith.addi %mul3A_262, %add3A_263 : i32
      %multiple_of3A_265 = tpu.assume_multiple %add3A_264, 16 : i32
      %get3A_266 = arith.index_cast %multiple_of3A_265 : i32 to index
      %get3A_267 = tpu.vector_load %arg7[%get3A_266] {strides = array<i32>} : memref<14000xf32, #tpu.memory_space<vmem>>, vector<16xf32>,
      %get3A_268 = vector.shape_cast %get3A_267 : vector<16xf32> to vector<16xf32>
      %exp3A_269 = math.exp %get3A_268 : vector<16xf32>
      %add3A_270 = arith.addf %scan3A_223, %exp3A_269 : vector<16xf32>
      scf.yield %add3A_230, %add3A_240, %add3A_250, %add3A_260, %add3A_270 : vector<16xf32>, vector<16xf32>, vector<16xf32>, vector<16xf32>, vector<16xf32>
    }
    %scan3A_205 = arith.constant 175 : i32
    %add3A_206 = arith.addf %scan3A_204#0, %scan3A_204#1 : vector<16xf32>
    %add3A_207 = arith.addf %add3A_206, %scan3A_204#2 : vector<16xf32>
    %add3A_208 = arith.addf %add3A_207, %scan3A_204#3 : vector<16xf32>
    %add3A_209 = arith.addf %add3A_208, %scan3A_204#4 : vector<16xf32>
    %swap3A_210 = arith.constant 48 : index
    %swap3A_211 = tpu.vector_load %arg8[%swap3A_210] {strides = array<i32>} : memref<64xf32, #tpu.memory_space<vmem>>, vector<16xf32>,
    %swap3A_212 = vector.shape_cast %swap3A_211 : vector<16xf32> to vector<16xf32>
    %swap3A_213 = vector.shape_cast %add3A_209 : vector<16xf32> to vector<16xf32>
    tpu.vector_store %arg8[%swap3A_210], %swap3A_213 {strides = array<i32>} : memref<64xf32, #tpu.memory_space<vmem>>, vector<16xf32>,
    %mul3A_214 = arith.constant 16 : i32
    %mul3A_215 = arith.muli %mul3A_2, %mul3A_214 : i32
    "tpu.region"() ({
      %run_scoped3A = tpu.sem_alloc : memref<!tpu.dma_semaphore, #tpu.memory_space<semaphore_mem>>
      %dma_start3A_218 = tpu.memref_slice %arg4[%mul3A_215] : memref<2048xf32, #tpu.memory_space<hbm>> -> memref<64xf32, #tpu.memory_space<hbm>>
      %dma_start3A_219 = tpu.memref_slice %arg4[%mul3A_215] : memref<2048xf32, #tpu.memory_space<hbm>> -> memref<64xf32, #tpu.memory_space<hbm>>
      tpu.enqueue_dma source(%arg8 : memref<64xf32, #tpu.memory_space<vmem>>) target(%dma_start3A_219 : memref<64xf32, #tpu.memory_space<hbm>>) target_semaphore(%run_scoped3A : memref<!tpu.dma_semaphore, #tpu.memory_space<semaphore_mem>>)
      %dma_wait3A_220 = tpu.memref_slice %arg4[%mul3A_215] : memref<2048xf32, #tpu.memory_space<hbm>> -> memref<64xf32, #tpu.memory_space<hbm>>
      %dma_wait3A_221 = tpu.memref_slice %arg4[%mul3A_215] : memref<2048xf32, #tpu.memory_space<hbm>> -> memref<64xf32, #tpu.memory_space<hbm>>
      tpu.wait_dma2 semaphore(%run_scoped3A : memref<!tpu.dma_semaphore, #tpu.memory_space<semaphore_mem>>) src(%arg8 : memref<64xf32, #tpu.memory_space<vmem>>) dst(%dma_wait3A_221 : memref<64xf32, #tpu.memory_space<hbm>>)
      tpu.yield
    }) : () -> ()
    %eq3A = arith.constant 0 : i32
    %eq3A_216 = arith.cmpi eq, %add3A, %eq3A : i32
    %convert_element_type3A = arith.extui %eq3A_216 : i1 to i32
    %cond3A = arith.constant 0 : i32
    %cond3A_217 = arith.cmpi ne, %convert_element_type3A, %cond3A : i32
    scf.if %cond3A_217 {
      "tpu.region"() ({
        %run_scoped3A = tpu.sem_alloc : memref<!tpu.dma_semaphore, #tpu.memory_space<semaphore_mem>>
        tpu.enqueue_dma source(%arg3 : memref<128xi32, #tpu.memory_space<hbm>>) target(%arg9 : memref<128xi32, #tpu.memory_space<vmem>>) target_semaphore(%run_scoped3A : memref<!tpu.dma_semaphore, #tpu.memory_space<semaphore_mem>>)
        tpu.wait_dma2 semaphore(%run_scoped3A : memref<!tpu.dma_semaphore, #tpu.memory_space<semaphore_mem>>) src(%arg3 : memref<128xi32, #tpu.memory_space<hbm>>) dst(%arg9 : memref<128xi32, #tpu.memory_space<vmem>>)
        tpu.yield
      }) : () -> ()
      %get3A = arith.constant 0 : index
      %get3A_218 = tpu.vector_load %arg9[%get3A] {strides = array<i32>} : memref<128xi32, #tpu.memory_space<vmem>>, vector<16xi32>,
      %get3A_219 = vector.shape_cast %get3A_218 : vector<16xi32> to vector<16xi32>
      %iota3A = tpu.iota {dimensions = array<i32: 0>} : vector<16xi32>
      %add3A_220 = arith.constant 0 : i32
      %add3A_221 = vector.broadcast %add3A_220 : i32 to vector<16xi32>
      %add3A_222 = arith.addi %iota3A, %add3A_221 : vector<16xi32>
      %mul3A_223 = arith.constant 100000 : i32
      %mul3A_224 = vector.broadcast %mul3A_223 : i32 to vector<16xi32>
      %mul3A_225 = arith.muli %add3A_222, %mul3A_224 : vector<16xi32>
      %add3A_226 = arith.addi %mul3A_225, %get3A_219 : vector<16xi32>
      %swap3A_227 = arith.constant 0 : index
      %swap3A_228 = tpu.vector_load %arg10[%swap3A_227] {strides = array<i32>} : memref<128xi32, #tpu.memory_space<vmem>>, vector<16xi32>,
      %swap3A_229 = vector.shape_cast %swap3A_228 : vector<16xi32> to vector<16xi32>
      %swap3A_230 = vector.shape_cast %add3A_226 : vector<16xi32> to vector<16xi32>
      tpu.vector_store %arg10[%swap3A_227], %swap3A_230 {strides = array<i32>} : memref<128xi32, #tpu.memory_space<vmem>>, vector<16xi32>,
      %get3A_231 = arith.constant 16 : index
      %get3A_232 = tpu.vector_load %arg9[%get3A_231] {strides = array<i32>} : memref<128xi32, #tpu.memory_space<vmem>>, vector<16xi32>,
      %get3A_233 = vector.shape_cast %get3A_232 : vector<16xi32> to vector<16xi32>
      %iota3A_234 = tpu.iota {dimensions = array<i32: 0>} : vector<16xi32>
      %add3A_235 = arith.constant 16 : i32
      %add3A_236 = vector.broadcast %add3A_235 : i32 to vector<16xi32>
      %add3A_237 = arith.addi %iota3A_234, %add3A_236 : vector<16xi32>
      %mul3A_238 = arith.constant 100000 : i32
      %mul3A_239 = vector.broadcast %mul3A_238 : i32 to vector<16xi32>
      %mul3A_240 = arith.muli %add3A_237, %mul3A_239 : vector<16xi32>
      %add3A_241 = arith.addi %mul3A_240, %get3A_233 : vector<16xi32>
      %swap3A_242 = arith.constant 16 : index
      %swap3A_243 = tpu.vector_load %arg10[%swap3A_242] {strides = array<i32>} : memref<128xi32, #tpu.memory_space<vmem>>, vector<16xi32>,
      %swap3A_244 = vector.shape_cast %swap3A_243 : vector<16xi32> to vector<16xi32>
      %swap3A_245 = vector.shape_cast %add3A_241 : vector<16xi32> to vector<16xi32>
      tpu.vector_store %arg10[%swap3A_242], %swap3A_245 {strides = array<i32>} : memref<128xi32, #tpu.memory_space<vmem>>, vector<16xi32>,
      %get3A_246 = arith.constant 32 : index
      %get3A_247 = tpu.vector_load %arg9[%get3A_246] {strides = array<i32>} : memref<128xi32, #tpu.memory_space<vmem>>, vector<16xi32>,
      %get3A_248 = vector.shape_cast %get3A_247 : vector<16xi32> to vector<16xi32>
      %iota3A_249 = tpu.iota {dimensions = array<i32: 0>} : vector<16xi32>
      %add3A_250 = arith.constant 32 : i32
      %add3A_251 = vector.broadcast %add3A_250 : i32 to vector<16xi32>
      %add3A_252 = arith.addi %iota3A_249, %add3A_251 : vector<16xi32>
      %mul3A_253 = arith.constant 100000 : i32
      %mul3A_254 = vector.broadcast %mul3A_253 : i32 to vector<16xi32>
      %mul3A_255 = arith.muli %add3A_252, %mul3A_254 : vector<16xi32>
      %add3A_256 = arith.addi %mul3A_255, %get3A_248 : vector<16xi32>
      %swap3A_257 = arith.constant 32 : index
      %swap3A_258 = tpu.vector_load %arg10[%swap3A_257] {strides = array<i32>} : memref<128xi32, #tpu.memory_space<vmem>>, vector<16xi32>,
      %swap3A_259 = vector.shape_cast %swap3A_258 : vector<16xi32> to vector<16xi32>
      %swap3A_260 = vector.shape_cast %add3A_256 : vector<16xi32> to vector<16xi32>
      tpu.vector_store %arg10[%swap3A_257], %swap3A_260 {strides = array<i32>} : memref<128xi32, #tpu.memory_space<vmem>>, vector<16xi32>,
      %get3A_261 = arith.constant 48 : index
      %get3A_262 = tpu.vector_load %arg9[%get3A_261] {strides = array<i32>} : memref<128xi32, #tpu.memory_space<vmem>>, vector<16xi32>,
      %get3A_263 = vector.shape_cast %get3A_262 : vector<16xi32> to vector<16xi32>
      %iota3A_264 = tpu.iota {dimensions = array<i32: 0>} : vector<16xi32>
      %add3A_265 = arith.constant 48 : i32
      %add3A_266 = vector.broadcast %add3A_265 : i32 to vector<16xi32>
      %add3A_267 = arith.addi %iota3A_264, %add3A_266 : vector<16xi32>
      %mul3A_268 = arith.constant 100000 : i32
      %mul3A_269 = vector.broadcast %mul3A_268 : i32 to vector<16xi32>
      %mul3A_270 = arith.muli %add3A_267, %mul3A_269 : vector<16xi32>
      %add3A_271 = arith.addi %mul3A_270, %get3A_263 : vector<16xi32>
      %swap3A_272 = arith.constant 48 : index
      %swap3A_273 = tpu.vector_load %arg10[%swap3A_272] {strides = array<i32>} : memref<128xi32, #tpu.memory_space<vmem>>, vector<16xi32>,
      %swap3A_274 = vector.shape_cast %swap3A_273 : vector<16xi32> to vector<16xi32>
      %swap3A_275 = vector.shape_cast %add3A_271 : vector<16xi32> to vector<16xi32>
      tpu.vector_store %arg10[%swap3A_272], %swap3A_275 {strides = array<i32>} : memref<128xi32, #tpu.memory_space<vmem>>, vector<16xi32>,
      %get3A_276 = arith.constant 64 : index
      %get3A_277 = tpu.vector_load %arg9[%get3A_276] {strides = array<i32>} : memref<128xi32, #tpu.memory_space<vmem>>, vector<16xi32>,
      %get3A_278 = vector.shape_cast %get3A_277 : vector<16xi32> to vector<16xi32>
      %iota3A_279 = tpu.iota {dimensions = array<i32: 0>} : vector<16xi32>
      %add3A_280 = arith.constant 64 : i32
      %add3A_281 = vector.broadcast %add3A_280 : i32 to vector<16xi32>
      %add3A_282 = arith.addi %iota3A_279, %add3A_281 : vector<16xi32>
      %mul3A_283 = arith.constant 100000 : i32
      %mul3A_284 = vector.broadcast %mul3A_283 : i32 to vector<16xi32>
      %mul3A_285 = arith.muli %add3A_282, %mul3A_284 : vector<16xi32>
      %add3A_286 = arith.addi %mul3A_285, %get3A_278 : vector<16xi32>
      %swap3A_287 = arith.constant 64 : index
      %swap3A_288 = tpu.vector_load %arg10[%swap3A_287] {strides = array<i32>} : memref<128xi32, #tpu.memory_space<vmem>>, vector<16xi32>,
      %swap3A_289 = vector.shape_cast %swap3A_288 : vector<16xi32> to vector<16xi32>
      %swap3A_290 = vector.shape_cast %add3A_286 : vector<16xi32> to vector<16xi32>
      tpu.vector_store %arg10[%swap3A_287], %swap3A_290 {strides = array<i32>} : memref<128xi32, #tpu.memory_space<vmem>>, vector<16xi32>,
      %get3A_291 = arith.constant 80 : index
      %get3A_292 = tpu.vector_load %arg9[%get3A_291] {strides = array<i32>} : memref<128xi32, #tpu.memory_space<vmem>>, vector<16xi32>,
      %get3A_293 = vector.shape_cast %get3A_292 : vector<16xi32> to vector<16xi32>
      %iota3A_294 = tpu.iota {dimensions = array<i32: 0>} : vector<16xi32>
      %add3A_295 = arith.constant 80 : i32
      %add3A_296 = vector.broadcast %add3A_295 : i32 to vector<16xi32>
      %add3A_297 = arith.addi %iota3A_294, %add3A_296 : vector<16xi32>
      %mul3A_298 = arith.constant 100000 : i32
      %mul3A_299 = vector.broadcast %mul3A_298 : i32 to vector<16xi32>
      %mul3A_300 = arith.muli %add3A_297, %mul3A_299 : vector<16xi32>
      %add3A_301 = arith.addi %mul3A_300, %get3A_293 : vector<16xi32>
      %swap3A_302 = arith.constant 80 : index
      %swap3A_303 = tpu.vector_load %arg10[%swap3A_302] {strides = array<i32>} : memref<128xi32, #tpu.memory_space<vmem>>, vector<16xi32>,
      %swap3A_304 = vector.shape_cast %swap3A_303 : vector<16xi32> to vector<16xi32>
      %swap3A_305 = vector.shape_cast %add3A_301 : vector<16xi32> to vector<16xi32>
      tpu.vector_store %arg10[%swap3A_302], %swap3A_305 {strides = array<i32>} : memref<128xi32, #tpu.memory_space<vmem>>, vector<16xi32>,
      %get3A_306 = arith.constant 96 : index
      %get3A_307 = tpu.vector_load %arg9[%get3A_306] {strides = array<i32>} : memref<128xi32, #tpu.memory_space<vmem>>, vector<16xi32>,
      %get3A_308 = vector.shape_cast %get3A_307 : vector<16xi32> to vector<16xi32>
      %iota3A_309 = tpu.iota {dimensions = array<i32: 0>} : vector<16xi32>
      %add3A_310 = arith.constant 96 : i32
      %add3A_311 = vector.broadcast %add3A_310 : i32 to vector<16xi32>
      %add3A_312 = arith.addi %iota3A_309, %add3A_311 : vector<16xi32>
      %mul3A_313 = arith.constant 100000 : i32
      %mul3A_314 = vector.broadcast %mul3A_313 : i32 to vector<16xi32>
      %mul3A_315 = arith.muli %add3A_312, %mul3A_314 : vector<16xi32>
      %add3A_316 = arith.addi %mul3A_315, %get3A_308 : vector<16xi32>
      %swap3A_317 = arith.constant 96 : index
      %swap3A_318 = tpu.vector_load %arg10[%swap3A_317] {strides = array<i32>} : memref<128xi32, #tpu.memory_space<vmem>>, vector<16xi32>,
      %swap3A_319 = vector.shape_cast %swap3A_318 : vector<16xi32> to vector<16xi32>
      %swap3A_320 = vector.shape_cast %add3A_316 : vector<16xi32> to vector<16xi32>
      tpu.vector_store %arg10[%swap3A_317], %swap3A_320 {strides = array<i32>} : memref<128xi32, #tpu.memory_space<vmem>>, vector<16xi32>,
      %get3A_321 = arith.constant 112 : index
      %get3A_322 = tpu.vector_load %arg9[%get3A_321] {strides = array<i32>} : memref<128xi32, #tpu.memory_space<vmem>>, vector<16xi32>,
      %get3A_323 = vector.shape_cast %get3A_322 : vector<16xi32> to vector<16xi32>
      %iota3A_324 = tpu.iota {dimensions = array<i32: 0>} : vector<16xi32>
      %add3A_325 = arith.constant 112 : i32
      %add3A_326 = vector.broadcast %add3A_325 : i32 to vector<16xi32>
      %add3A_327 = arith.addi %iota3A_324, %add3A_326 : vector<16xi32>
      %mul3A_328 = arith.constant 100000 : i32
      %mul3A_329 = vector.broadcast %mul3A_328 : i32 to vector<16xi32>
      %mul3A_330 = arith.muli %add3A_327, %mul3A_329 : vector<16xi32>
      %add3A_331 = arith.addi %mul3A_330, %get3A_323 : vector<16xi32>
      %swap3A_332 = arith.constant 112 : index
      %swap3A_333 = tpu.vector_load %arg10[%swap3A_332] {strides = array<i32>} : memref<128xi32, #tpu.memory_space<vmem>>, vector<16xi32>,
      %swap3A_334 = vector.shape_cast %swap3A_333 : vector<16xi32> to vector<16xi32>
      %swap3A_335 = vector.shape_cast %add3A_331 : vector<16xi32> to vector<16xi32>
      tpu.vector_store %arg10[%swap3A_332], %swap3A_335 {strides = array<i32>} : memref<128xi32, #tpu.memory_space<vmem>>, vector<16xi32>,
      %dma_start3A_336 = arith.constant 0 : i32
      %dma_start3A_337 = tpu.memref_slice %arg2[%dma_start3A_336] : memref<12800000xf32, #tpu.memory_space<hbm>> -> memref<12800000xf32, #tpu.memory_space<hbm>>
      tpu.enqueue_indirect_dma source(%dma_start3A_337 : memref<12800000xf32, #tpu.memory_space<hbm>>) target(%arg11 : memref<128xf32, #tpu.memory_space<vmem>>) offsets(%arg10 : memref<128xi32, #tpu.memory_space<vmem>>) semaphore(%arg14 : memref<!tpu.dma_semaphore, #tpu.memory_space<semaphore_mem>>)
      %dma_wait3A_338 = arith.constant 0 : i32
      %dma_wait3A_339 = tpu.memref_slice %arg2[%dma_wait3A_338] : memref<12800000xf32, #tpu.memory_space<hbm>> -> memref<12800000xf32, #tpu.memory_space<hbm>>
      tpu.wait_indirect_dma semaphore(%arg14 : memref<!tpu.dma_semaphore, #tpu.memory_space<semaphore_mem>>) src(%dma_wait3A_339 : memref<12800000xf32, #tpu.memory_space<hbm>>) dst(%arg11 : memref<128xf32, #tpu.memory_space<vmem>>)
      "tpu.region"() ({
        %run_scoped3A = tpu.sem_alloc : memref<!tpu.dma_semaphore, #tpu.memory_space<semaphore_mem>>
        tpu.enqueue_dma source(%arg11 : memref<128xf32, #tpu.memory_space<vmem>>) target(%arg5 : memref<128xf32, #tpu.memory_space<hbm>>) target_semaphore(%run_scoped3A : memref<!tpu.dma_semaphore, #tpu.memory_space<semaphore_mem>>)
        tpu.wait_dma2 semaphore(%run_scoped3A : memref<!tpu.dma_semaphore, #tpu.memory_space<semaphore_mem>>) src(%arg11 : memref<128xf32, #tpu.memory_space<vmem>>) dst(%arg5 : memref<128xf32, #tpu.memory_space<hbm>>)
        tpu.yield
      }) : () -> ()
    } else {
    }
    return
  }
}

module attributes {stable_mosaic.version = 14 : i64} {
  func.func @_finish_kernel(%arg0: memref<128x16xf32, #tpu.memory_space<vmem>>, %arg1: memref<128x1xf32, #tpu.memory_space<vmem>>, %arg2: memref<128x1xf32, #tpu.memory_space<vmem>>, %arg3: memref<1x1xf32, #tpu.memory_space<vmem>>) attributes {dimension_semantics = [], scalar_prefetch = 0 : i64, scratch_operands = 0 : i64, tpu.core_type = #tpu.core_type<tc>} {
    %get3A = arith.constant 0 : index
    %get3A_0 = arith.constant 0 : index
    %get3A_1 = vector.load %arg0[%get3A, %get3A_0] : memref<128x16xf32, #tpu.memory_space<vmem>>, vector<128x16xf32>
    %reduce_sum3A = arith.constant dense<0.000000e+00> : vector<128xf32>
    %reduce_sum3A_2 = vector.multi_reduction <add>, %get3A_1, %reduce_sum3A [1] : vector<128x16xf32> to vector<128xf32>
    %broadcast_in_dim3A = vector.shape_cast %reduce_sum3A_2 : vector<128xf32> to vector<128x1xf32>
    %get3A_3 = arith.constant 0 : index
    %get3A_4 = arith.constant 0 : index
    %get3A_5 = vector.load %arg1[%get3A_3, %get3A_4] : memref<128x1xf32, #tpu.memory_space<vmem>>, vector<128x1xf32>
    %add3A = arith.addf %broadcast_in_dim3A, %get3A_5 : vector<128x1xf32>
    %get3A_6 = arith.constant 0 : index
    %get3A_7 = arith.constant 0 : index
    %get3A_8 = vector.load %arg2[%get3A_6, %get3A_7] : memref<128x1xf32, #tpu.memory_space<vmem>>, vector<128x1xf32>
    %exp3A = math.exp %get3A_8 : vector<128x1xf32>
    %div3A = arith.divf %exp3A, %add3A : vector<128x1xf32>
    %add3A_9 = arith.constant 9.99999997E-7 : f32
    %add3A_10 = vector.broadcast %add3A_9 : f32 to vector<128x1xf32>
    %add3A_11 = arith.addf %div3A, %add3A_10 : vector<128x1xf32>
    %log3A = math.log %add3A_11 : vector<128x1xf32>
    %reduce_sum3A_12 = vector.shape_cast %log3A : vector<128x1xf32> to vector<1x128x1xf32>
    %reduce_sum3A_13 = arith.constant dense<0.000000e+00> : vector<1xf32>
    %reduce_sum3A_14 = vector.multi_reduction <add>, %reduce_sum3A_12, %reduce_sum3A_13 [1, 2] : vector<1x128x1xf32> to vector<1xf32>
    %reduce_sum3A_15 = vector.shape_cast %reduce_sum3A_14 : vector<1xf32> to vector<1x1x1xf32>
    %reduce_sum3A_16 = vector.extract %reduce_sum3A_15[0, 0, 0] : f32 from vector<1x1x1xf32>
    %div3A_17 = arith.constant 1.280000e+02 : f32
    %div3A_18 = arith.divf %reduce_sum3A_16, %div3A_17 : f32
    %reshape3A = vector.broadcast %div3A_18 : f32 to vector<1x1xf32>
    %neg3A = arith.constant 0.000000e+00 : f32
    %neg3A_19 = vector.broadcast %neg3A : f32 to vector<1x1xf32>
    %neg3A_20 = arith.subf %neg3A_19, %reshape3A : vector<1x1xf32>
    %swap3A = arith.constant 0 : index
    %swap3A_21 = arith.constant 0 : index
    %swap3A_22 = vector.load %arg3[%swap3A, %swap3A_21] : memref<1x1xf32, #tpu.memory_space<vmem>>, vector<1x1xf32>
    tpu.vector_store %arg3[%swap3A, %swap3A_21], %neg3A_20 {strides = array<i32>} : memref<1x1xf32, #tpu.memory_space<vmem>>, vector<1x1xf32>,
    return
  }
}

module attributes {stable_mosaic.version = 14 : i64} {
  func.func @_tc_sum_kernel(%arg0: i32, %arg1: memref<128x4096xf32, #tpu.memory_space<vmem>>, %arg2: memref<128x4096xf32, #tpu.memory_space<vmem>>, %arg3: memref<128x4096xf32, #tpu.memory_space<vmem>>, %arg4: memref<128x4096xf32, #tpu.memory_space<vmem>>, %arg5: memref<128x1xf32, #tpu.memory_space<vmem>>, %arg6: memref<128x1xf32, #tpu.memory_space<vmem>>) attributes {dimension_semantics = [#tpu.dimension_semantics<arbitrary>], iteration_bounds = array<i64: 5>, scalar_prefetch = 0 : i64, scratch_operands = 1 : i64, tpu.core_type = #tpu.core_type<tc>, window_params = [{transform_indices = @transform_0, window_bounds = array<i64: 128, 4096>}, {transform_indices = @transform_1, window_bounds = array<i64: 128, 4096>}, {transform_indices = @transform_2, window_bounds = array<i64: 128, 4096>}, {transform_indices = @transform_3, window_bounds = array<i64: 128, 4096>}, {pipeline_mode = #tpu.pipeline_mode<synchronous>, transform_indices = @transform_4, window_bounds = array<i64: 128, 1>}]} {
    %get3A = arith.constant 0 : index
    %get3A_0 = arith.constant 0 : index
    %get3A_1 = vector.load %arg1[%get3A, %get3A_0] : memref<128x4096xf32, #tpu.memory_space<vmem>>, vector<128x4096xf32>
    %mul3A = arith.constant 4 : i32
    %mul3A_2 = arith.muli %arg0, %mul3A : i32
    %add3A = arith.constant 0 : i32
    %add3A_3 = arith.addi %mul3A_2, %add3A : i32
    %mul3A_4 = arith.constant 4096 : i32
    %mul3A_5 = arith.muli %add3A_3, %mul3A_4 : i32
    %iota3A = tpu.iota {dimensions = array<i32: 1>} : vector<128x4096xi32>
    %add3A_6 = vector.broadcast %mul3A_5 : i32 to vector<128x4096xi32>
    %add3A_7 = arith.addi %add3A_6, %iota3A : vector<128x4096xi32>
    %lt3A = arith.constant 72000 : i32
    %lt3A_8 = vector.broadcast %lt3A : i32 to vector<128x4096xi32>
    %lt3A_9 = arith.cmpi slt, %add3A_7, %lt3A_8 : vector<128x4096xi32>
    %exp3A = math.exp %get3A_1 : vector<128x4096xf32>
    %jit3A = arith.constant 0.000000e+00 : f32
    %broadcast_in_dim3A = vector.broadcast %jit3A : f32 to vector<128x4096xf32>
    %select_n3A = arith.select %lt3A_9, %exp3A, %broadcast_in_dim3A : vector<128x4096xi1>, vector<128x4096xf32>
    %reduce_sum3A = arith.constant dense<0.000000e+00> : vector<128xf32>
    %reduce_sum3A_10 = vector.multi_reduction <add>, %select_n3A, %reduce_sum3A [1] : vector<128x4096xf32> to vector<128xf32>
    %broadcast_in_dim3A_11 = vector.shape_cast %reduce_sum3A_10 : vector<128xf32> to vector<128x1xf32>
    %get3A_12 = arith.constant 0 : index
    %get3A_13 = arith.constant 0 : index
    %get3A_14 = vector.load %arg2[%get3A_12, %get3A_13] : memref<128x4096xf32, #tpu.memory_space<vmem>>, vector<128x4096xf32>
    %mul3A_15 = arith.constant 4 : i32
    %mul3A_16 = arith.muli %arg0, %mul3A_15 : i32
    %add3A_17 = arith.constant 1 : i32
    %add3A_18 = arith.addi %mul3A_16, %add3A_17 : i32
    %mul3A_19 = arith.constant 4096 : i32
    %mul3A_20 = arith.muli %add3A_18, %mul3A_19 : i32
    %iota3A_21 = tpu.iota {dimensions = array<i32: 1>} : vector<128x4096xi32>
    %add3A_22 = vector.broadcast %mul3A_20 : i32 to vector<128x4096xi32>
    %add3A_23 = arith.addi %add3A_22, %iota3A_21 : vector<128x4096xi32>
    %lt3A_24 = arith.constant 72000 : i32
    %lt3A_25 = vector.broadcast %lt3A_24 : i32 to vector<128x4096xi32>
    %lt3A_26 = arith.cmpi slt, %add3A_23, %lt3A_25 : vector<128x4096xi32>
    %exp3A_27 = math.exp %get3A_14 : vector<128x4096xf32>
    %jit3A_28 = arith.constant 0.000000e+00 : f32
    %broadcast_in_dim3A_29 = vector.broadcast %jit3A_28 : f32 to vector<128x4096xf32>
    %select_n3A_30 = arith.select %lt3A_26, %exp3A_27, %broadcast_in_dim3A_29 : vector<128x4096xi1>, vector<128x4096xf32>
    %reduce_sum3A_31 = arith.constant dense<0.000000e+00> : vector<128xf32>
    %reduce_sum3A_32 = vector.multi_reduction <add>, %select_n3A_30, %reduce_sum3A_31 [1] : vector<128x4096xf32> to vector<128xf32>
    %broadcast_in_dim3A_33 = vector.shape_cast %reduce_sum3A_32 : vector<128xf32> to vector<128x1xf32>
    %add3A_34 = arith.addf %broadcast_in_dim3A_11, %broadcast_in_dim3A_33 : vector<128x1xf32>
    %get3A_35 = arith.constant 0 : index
    %get3A_36 = arith.constant 0 : index
    %get3A_37 = vector.load %arg3[%get3A_35, %get3A_36] : memref<128x4096xf32, #tpu.memory_space<vmem>>, vector<128x4096xf32>
    %mul3A_38 = arith.constant 4 : i32
    %mul3A_39 = arith.muli %arg0, %mul3A_38 : i32
    %add3A_40 = arith.constant 2 : i32
    %add3A_41 = arith.addi %mul3A_39, %add3A_40 : i32
    %mul3A_42 = arith.constant 4096 : i32
    %mul3A_43 = arith.muli %add3A_41, %mul3A_42 : i32
    %iota3A_44 = tpu.iota {dimensions = array<i32: 1>} : vector<128x4096xi32>
    %add3A_45 = vector.broadcast %mul3A_43 : i32 to vector<128x4096xi32>
    %add3A_46 = arith.addi %add3A_45, %iota3A_44 : vector<128x4096xi32>
    %lt3A_47 = arith.constant 72000 : i32
    %lt3A_48 = vector.broadcast %lt3A_47 : i32 to vector<128x4096xi32>
    %lt3A_49 = arith.cmpi slt, %add3A_46, %lt3A_48 : vector<128x4096xi32>
    %exp3A_50 = math.exp %get3A_37 : vector<128x4096xf32>
    %jit3A_51 = arith.constant 0.000000e+00 : f32
    %broadcast_in_dim3A_52 = vector.broadcast %jit3A_51 : f32 to vector<128x4096xf32>
    %select_n3A_53 = arith.select %lt3A_49, %exp3A_50, %broadcast_in_dim3A_52 : vector<128x4096xi1>, vector<128x4096xf32>
    %reduce_sum3A_54 = arith.constant dense<0.000000e+00> : vector<128xf32>
    %reduce_sum3A_55 = vector.multi_reduction <add>, %select_n3A_53, %reduce_sum3A_54 [1] : vector<128x4096xf32> to vector<128xf32>
    %broadcast_in_dim3A_56 = vector.shape_cast %reduce_sum3A_55 : vector<128xf32> to vector<128x1xf32>
    %add3A_57 = arith.addf %add3A_34, %broadcast_in_dim3A_56 : vector<128x1xf32>
    %get3A_58 = arith.constant 0 : index
    %get3A_59 = arith.constant 0 : index
    %get3A_60 = vector.load %arg4[%get3A_58, %get3A_59] : memref<128x4096xf32, #tpu.memory_space<vmem>>, vector<128x4096xf32>
    %mul3A_61 = arith.constant 4 : i32
    %mul3A_62 = arith.muli %arg0, %mul3A_61 : i32
    %add3A_63 = arith.constant 3 : i32
    %add3A_64 = arith.addi %mul3A_62, %add3A_63 : i32
    %mul3A_65 = arith.constant 4096 : i32
    %mul3A_66 = arith.muli %add3A_64, %mul3A_65 : i32
    %iota3A_67 = tpu.iota {dimensions = array<i32: 1>} : vector<128x4096xi32>
    %add3A_68 = vector.broadcast %mul3A_66 : i32 to vector<128x4096xi32>
    %add3A_69 = arith.addi %add3A_68, %iota3A_67 : vector<128x4096xi32>
    %lt3A_70 = arith.constant 72000 : i32
    %lt3A_71 = vector.broadcast %lt3A_70 : i32 to vector<128x4096xi32>
    %lt3A_72 = arith.cmpi slt, %add3A_69, %lt3A_71 : vector<128x4096xi32>
    %exp3A_73 = math.exp %get3A_60 : vector<128x4096xf32>
    %jit3A_74 = arith.constant 0.000000e+00 : f32
    %broadcast_in_dim3A_75 = vector.broadcast %jit3A_74 : f32 to vector<128x4096xf32>
    %select_n3A_76 = arith.select %lt3A_72, %exp3A_73, %broadcast_in_dim3A_75 : vector<128x4096xi1>, vector<128x4096xf32>
    %reduce_sum3A_77 = arith.constant dense<0.000000e+00> : vector<128xf32>
    %reduce_sum3A_78 = vector.multi_reduction <add>, %select_n3A_76, %reduce_sum3A_77 [1] : vector<128x4096xf32> to vector<128xf32>
    %broadcast_in_dim3A_79 = vector.shape_cast %reduce_sum3A_78 : vector<128xf32> to vector<128x1xf32>
    %add3A_80 = arith.addf %add3A_57, %broadcast_in_dim3A_79 : vector<128x1xf32>
    %eq3A = arith.constant 0 : i32
    %eq3A_81 = arith.cmpi eq, %arg0, %eq3A : i32
    %convert_element_type3A = arith.extui %eq3A_81 : i1 to i32
    %cond3A = arith.constant 0 : i32
    %cond3A_82 = arith.cmpi ne, %convert_element_type3A, %cond3A : i32
    scf.if %cond3A_82 {
      %swap3A = arith.constant 0 : index
      %swap3A_92 = arith.constant 0 : index
      %swap3A_93 = vector.load %arg6[%swap3A, %swap3A_92] : memref<128x1xf32, #tpu.memory_space<vmem>>, vector<128x1xf32>
      tpu.vector_store %arg6[%swap3A, %swap3A_92], %add3A_80 {strides = array<i32>} : memref<128x1xf32, #tpu.memory_space<vmem>>, vector<128x1xf32>,
    } else {
    }
    %gt3A = arith.constant 0 : i32
    %gt3A_83 = arith.cmpi sgt, %arg0, %gt3A : i32
    %convert_element_type3A_84 = arith.extui %gt3A_83 : i1 to i32
    %cond3A_85 = arith.constant 0 : i32
    %cond3A_86 = arith.cmpi ne, %convert_element_type3A_84, %cond3A_85 : i32
    scf.if %cond3A_86 {
      %get3A_92 = arith.constant 0 : index
      %get3A_93 = arith.constant 0 : index
      %get3A_94 = vector.load %arg6[%get3A_92, %get3A_93] : memref<128x1xf32, #tpu.memory_space<vmem>>, vector<128x1xf32>
      %add3A_95 = arith.addf %get3A_94, %add3A_80 : vector<128x1xf32>
      %swap3A = arith.constant 0 : index
      %swap3A_96 = arith.constant 0 : index
      %swap3A_97 = vector.load %arg6[%swap3A, %swap3A_96] : memref<128x1xf32, #tpu.memory_space<vmem>>, vector<128x1xf32>
      tpu.vector_store %arg6[%swap3A, %swap3A_96], %add3A_95 {strides = array<i32>} : memref<128x1xf32, #tpu.memory_space<vmem>>, vector<128x1xf32>,
    } else {
    }
    %eq3A_87 = arith.constant 4 : i32
    %eq3A_88 = arith.cmpi eq, %arg0, %eq3A_87 : i32
    %convert_element_type3A_89 = arith.extui %eq3A_88 : i1 to i32
    %cond3A_90 = arith.constant 0 : i32
    %cond3A_91 = arith.cmpi ne, %convert_element_type3A_89, %cond3A_90 : i32
    scf.if %cond3A_91 {
      %get3A_92 = arith.constant 0 : index
      %get3A_93 = arith.constant 0 : index
      %get3A_94 = vector.load %arg6[%get3A_92, %get3A_93] : memref<128x1xf32, #tpu.memory_space<vmem>>, vector<128x1xf32>
      %swap3A = arith.constant 0 : index
      %swap3A_95 = arith.constant 0 : index
      %swap3A_96 = vector.load %arg5[%swap3A, %swap3A_95] : memref<128x1xf32, #tpu.memory_space<vmem>>, vector<128x1xf32>
      tpu.vector_store %arg5[%swap3A, %swap3A_95], %get3A_94 {strides = array<i32>} : memref<128x1xf32, #tpu.memory_space<vmem>>, vector<128x1xf32>,
    } else {
    }
    return
  }
  func.func @transform_0(%arg0: i32) -> (i32, i32) {
    %mul3A = arith.constant 4 : i32
    %mul3A_0 = arith.muli %arg0, %mul3A : i32
    %add3A = arith.constant 0 : i32
    %add3A_1 = arith.addi %mul3A_0, %add3A : i32
    %min3A = arith.constant 17 : i32
    %min3A_2 = arith.minsi %add3A_1, %min3A : i32
    %c0_i32 = arith.constant 0 : i32
    %c0_i32_3 = arith.constant 0 : i32
    return %c0_i32, %min3A_2 : i32, i32
  }
  func.func @transform_1(%arg0: i32) -> (i32, i32) {
    %mul3A = arith.constant 4 : i32
    %mul3A_0 = arith.muli %arg0, %mul3A : i32
    %add3A = arith.constant 1 : i32
    %add3A_1 = arith.addi %mul3A_0, %add3A : i32
    %min3A = arith.constant 17 : i32
    %min3A_2 = arith.minsi %add3A_1, %min3A : i32
    %c0_i32 = arith.constant 0 : i32
    %c0_i32_3 = arith.constant 0 : i32
    return %c0_i32, %min3A_2 : i32, i32
  }
  func.func @transform_2(%arg0: i32) -> (i32, i32) {
    %mul3A = arith.constant 4 : i32
    %mul3A_0 = arith.muli %arg0, %mul3A : i32
    %add3A = arith.constant 2 : i32
    %add3A_1 = arith.addi %mul3A_0, %add3A : i32
    %min3A = arith.constant 17 : i32
    %min3A_2 = arith.minsi %add3A_1, %min3A : i32
    %c0_i32 = arith.constant 0 : i32
    %c0_i32_3 = arith.constant 0 : i32
    return %c0_i32, %min3A_2 : i32, i32
  }
  func.func @transform_3(%arg0: i32) -> (i32, i32) {
    %mul3A = arith.constant 4 : i32
    %mul3A_0 = arith.muli %arg0, %mul3A : i32
    %add3A = arith.constant 3 : i32
    %add3A_1 = arith.addi %mul3A_0, %add3A : i32
    %min3A = arith.constant 17 : i32
    %min3A_2 = arith.minsi %add3A_1, %min3A : i32
    %c0_i32 = arith.constant 0 : i32
    %c0_i32_3 = arith.constant 0 : i32
    return %c0_i32, %min3A_2 : i32, i32
  }
  func.func @transform_4(%arg0: i32) -> (i32, i32) {
    %c0_i32 = arith.constant 0 : i32
    %c0_i32_0 = arith.constant 0 : i32
    %c0_i32_1 = arith.constant 0 : i32
    return %c0_i32, %c0_i32_0 : i32, i32
  }
}

</mosaic_0001>

<sc_bundles>
// kernel: kernel.5.cloned.1.call-start
scs
__scs_entry_jumppad:
0x0: {  	(pc) =	sbr.rel $0x88, $3  }
0x1: {  	(tag) =	ssettag $0x0;
	lr =	simm.s32 $0x1  }
0x2: {  	[smem:$0x3F9F] =	sst lr;
	_ =	strace $0xD0000000  }
0x3: {  	_ = 	snop  }
0x4: {  	_ = 	snop  }
0x5: {  	_ = 	snop  }
0x6: {  	_ = 	snop  }
0x7: {  	_ = 	snop  }
__scs_overlays_trampoline_lowered:
0x8: {  	[smem:$0x3FAE] =	sst s0  }
0x9: {  	[smem:$0x3FAF] =	sst s1  }
0xa: {  	[smem:$0x3FB0] =	sst s2  }
0xb: {  	[smem:$0x3FB1] =	sst s3  }
0xc: {  	[smem:$0x3FB2] =	sst s4  }
0xd: {  	[smem:$0x3FB3] =	sst s5  }
0xe: {  	[smem:$0x3FB4] =	sst s6  }
0xf: {  	[smem:$0x3FB5] =	sst s7  }
0x10: {  	[smem:$0x3FB6] =	sst s8  }
0x11: {  	[smem:$0x3FB7] =	sst s9;
	s0 =	simm.s32 @!p0 $0x0  }
0x12: {  	s1 =	sld [smem:$0x3F9D];
	s0 =	simm.s32 @p0 $0x1  }
0x13: {  	[smem:$0x3FB8] =	sst s0;
	s0 =	simm.s32 @!p1 $0x0  }
0x14: {  	s2 =	sld [smem:$0x3F9C];
	s0 =	simm.s32 @p1 $0x1  }
0x15: {  	[smem:$0x3FB9] =	sst s0;
	s0 =	simm.s32 @!p2 $0x0  }
0x16: {  	s3 =	sld [smem:$0x3FDB];
	s0 =	simm.s32 @p2 $0x1  }
0x17: {  	s4 =	simm.s32 $0x1BF5;
	[smem:$0x3FBB] =	sst s0  }
0x18: {  	s0 =	sld [smem:$0x3F9E];
	_ =	swait.ge [sflag:s4], $0x0  }
0x19: {  	s7 =	sld [smem:$0x3F9F]  }
0x1a: {  	s8 =	sadd.s32 $0xFFFFE003, lr  }
0x1b: {  	s9 =	sadd.s32 $0xFFFFFEF7, lr;
	s5 =	simm.s32 $0xFFFFFFFF;
	p2 =	slt.u32 s8, $0xFFFFF086  }
0x1c: {  	p1 =	slt.u32 s9, $0xF7A;
	s5 =	simm.s32 @!p2 $0x0  }
0x1d: {  	s5 =	simm.s32 @p1 $0x1;
	p0 =	seq.s32 s7, s2  }
0x1e: {  	s7 =	smul.u32 @!p0 $0xF7A, s2;
	p2 =	seq.s32 @!p0 s5, $0x0  }
0x1f: {  	s9 =	smul.u32 $0xF7A, s1;
	s8 =	simm.s32 @!p0 $0x1BF5;
	p2 =	por !p2, p0  }
0x20: {  	[sflag:s8] =	ssyncset.s32 @!p0 $0xFFFFF086;
	s6 =	sadd.s32 @!p0 s3, s7;
	s7 =	simm.s32 @!p0 $0x108  }
0x21: {  	s3 =	sadd.s32 s3, s9;
	s6 =	sadd.s32 @!p0 $0x88, s6;
	s7 =	simm.s32 @p2 $0x1082  }
0x22: {  	[simem:s7], [sflag:s8] =	dma.local @!p0 [hbm:s6], $0xF7A  }
0x23: {  	s9 =	sor.u32 $0xD0000000, s2;
	s6 =	simm.s32 $0x108;
	_ =	swait.ge @!p0 [sflag:s8], $0x0  }
0x24: {  	s3 =	sadd.s32 $0x88, s3;
	s6 =	simm.s32 @!p1 $0x1082;
	[sflag:s4] =	ssyncset.s32 $0xFFFFF086  }
0x25: {  	[simem:s6], [sflag:s4] =	dma.local [hbm:s3], $0xF7A  }
0x26: {  	[smem:$0x3F9F] =	sst s1;
	(tag) =	ssettag s2;
	_ =	strace s9  }
0x27: {  	s1 =	sld [smem:$0x3FAF]  }
0x28: {  	s2 =	sld [smem:$0x3FB0]  }
0x29: {  	s4 =	sld [smem:$0x3FB2]  }
0x2a: {  	p0 =	seq.s32 s5, $0x0;
	s5 =	sld [smem:$0x3FB3]  }
0x2b: {  	s6 =	sld [smem:$0x3FB4]  }
0x2c: {  	s7 =	sld [smem:$0x3FB5]  }
0x2d: {  	s3 =	simm.s32 $0x108;
	s8 =	sld [smem:$0x3FB6]  }
0x2e: {  	s3 =	simm.s32 @!p0 $0x1082;
	s9 =	sld [smem:$0x3FB7]  }
0x2f: {  	lr =	sadd.s32 s0, s3;
	s0 =	sld [smem:$0x3FAE]  }
0x30: {  	s3 =	sld [smem:$0x3FB1]  }
0x31: {  	[smem:$0x3FBA] =	sst s10  }
0x32: {  	s10 =	sld [smem:$0x3FB8];
	_ =	sdelay $0x3  }
0x33: {  	p0 =	seq.s32 s10, $0x1;
	s10 =	sld [smem:$0x3FBA];
	_ =	sdelay $0x3  }
0x34: {  	[smem:$0x3FBA] =	sst s10  }
0x35: {  	s10 =	sld [smem:$0x3FB9];
	_ =	sdelay $0x3  }
0x36: {  	p1 =	seq.s32 s10, $0x1;
	s10 =	sld [smem:$0x3FBA];
	_ =	sdelay $0x3  }
0x37: {  	[smem:$0x3FBA] =	sst s10  }
0x38: {  	s10 =	sld [smem:$0x3FBB]  }
0x39: {  	_ = 	snop;
	(pc) =	sbr.ind lr, $3  }
0x3a: {  	_ = 	snop  }
0x3b: {  	_ = 	snop  }
0x3c: {  	p2 =	seq.s32 s10, $0x1;
	s10 =	sld [smem:$0x3FBA]  }
0x3d: {  	_ =	shalt  }
0x3e: {  	_ =	shalt  }
0x3f: {  	_ =	shalt  }
0x40: {  	_ =	shalt  }
0x41: {  	_ =	shalt  }
0x42: {  	_ =	shalt  }
0x43: {  	_ =	shalt  }
0x44: {  	_ =	shalt  }
0x45: {  	_ =	shalt  }
0x46: {  	_ =	shalt  }
0x47: {  	_ =	shalt  }
0x48: {  	_ =	shalt  }
0x49: {  	_ =	shalt  }
0x4a: {  	_ =	shalt  }
0x4b: {  	_ =	shalt  }
0x4c: {  	_ =	shalt  }
0x4d: {  	_ =	shalt  }
0x4e: {  	_ =	shalt  }
0x4f: {  	_ =	shalt  }
0x50: {  	_ =	shalt  }
0x51: {  	_ =	shalt  }
0x52: {  	_ =	shalt  }
0x53: {  	_ =	shalt  }
0x54: {  	_ =	shalt  }
0x55: {  	_ =	shalt  }
0x56: {  	_ =	shalt  }
0x57: {  	_ =	shalt  }
0x58: {  	_ =	shalt  }
0x59: {  	_ =	shalt  }
0x5a: {  	_ =	shalt  }
0x5b: {  	_ =	shalt  }
0x5c: {  	_ =	shalt  }
0x5d: {  	_ =	shalt  }
0x5e: {  	_ =	shalt  }
0x5f: {  	_ =	shalt  }
0x60: {  	_ =	shalt  }
0x61: {  	_ =	shalt  }
0x62: {  	_ =	shalt  }
0x63: {  	_ =	shalt  }
0x64: {  	_ =	shalt  }
0x65: {  	_ =	shalt  }
0x66: {  	_ =	shalt  }
0x67: {  	_ =	shalt  }
0x68: {  	_ =	shalt  }
0x69: {  	_ =	shalt  }
0x6a: {  	_ =	shalt  }
0x6b: {  	_ =	shalt  }
0x6c: {  	_ =	shalt  }
0x6d: {  	_ =	shalt  }
0x6e: {  	_ =	shalt  }
0x6f: {  	_ =	shalt  }
0x70: {  	_ =	shalt  }
0x71: {  	_ =	shalt  }
0x72: {  	_ =	shalt  }
0x73: {  	_ =	shalt  }
0x74: {  	_ =	shalt  }
0x75: {  	_ =	shalt  }
0x76: {  	_ =	shalt  }
0x77: {  	_ =	shalt  }
0x78: {  	_ =	shalt  }
0x79: {  	_ =	shalt  }
0x7a: {  	_ =	shalt  }
0x7b: {  	_ =	shalt  }
0x7c: {  	_ =	shalt  }
0x7d: {  	_ =	shalt  }
0x7e: {  	_ =	shalt  }
0x7f: {  	_ =	shalt  }
0x80: {  	_ =	shalt  }
0x81: {  	_ =	shalt  }
0x82: {  	_ =	shalt  }
0x83: {  	_ =	shalt  }
0x84: {  	_ =	shalt  }
0x85: {  	_ =	shalt  }
0x86: {  	_ =	shalt  }
0x87: {  	_ =	shalt  }
.Lfunc_end0:
.L_simem_size_0:
called_computation_lowered:
.L_overlay_start_0:
0x88: {  	s2 =	sld [smem:$0x3FD9]  }
0x89: {  	s3 =	sld [smem:$0x3FFE];
	_ =	sdelay $0x1  }
0x8a: {  	s1 =	srdreg.scid  }
0x8b: {  	s0 =	sand.u32 $0x1, s1  }
0x8c: {  	s17 =	sshll.u32 s0, $0xA;
	s2 =	sadd.s32 s3, s2  }
0x8d: {  	s2 =	sadd.s32 s2, s17  }
0x8e: {  	[smem:$0x3FC6] =	sst s2  }
0x8f: {  	_ = 	snop  }
0x90: {  	s2 =	sld [smem:$0x3FC8]  }
0x91: {  	s18 =	sld [smem:$0x3FD0];
	(tm) =	ssettm $0x1  }
0x92: {  	s4 =	sld [smem:$0x3FFB];
	_ =	sdelay $0x3  }
0x93: {  	_ =	strace s4  }
0x94: {  	s4 =	sld [smem:$0x3FFC];
	_ =	sdelay $0x3  }
0x95: {  	_ =	strace s4  }
0x96: {  	s4 =	sld [smem:$0x3FFD];
	_ =	sdelay $0x3  }
0x97: {  	_ =	strace s4  }
0x98: {  	_ =	strace $0x8FFFFFFF  }
0x99: {  	s19 =	sld [smem:$0x3FDB];
	_ =	sdelay $0x1  }
0x9a: {  	s5 =	simm.s32 $_scs_section_size  }
0x9b: {  	s6 =	simm.s32 $_size__tile_overlayer_lowered;
	s7 =	simm.s32 $_tile_overlayer_lowered  }
0x9c: {  	s22 =	simm.s32 $0x1BFF;
	s21 =	sshll.u32 s7, $0x1;
	s4 =	sadd.s32 s5, s19  }
0x9d: {  	s8 =	simm.s32 $0x0;
	s20 =	sshll.u32 s6, $0x1;
	s6 =	sadd.s32 s21, s4  }
0x9e: {  	[timem:s8], [sflag:s22] =	dma.local [hbm:s6], s20  }
0x9f: {  	_ =	swait.ge [sflag:s22], s20  }
0xa0: {  	s5 =	ssub.s32 $0x0, s20;
	[sflag:s22] =	ssyncset.done $0x0  }
0xa1: {  	[sflag:s22] =	ssyncadd.s32 s5;
	_ =	sdelay $0x1  }
0xa2: {  	s23 =	simm.s32 $0x1B8B  }
0xa3: {  	_ =	swait.ge [sflag:s23], $0x1  }
0xa4: {  	[sflag:s23] =	ssyncset.done $0x0  }
0xa5: {  	s25 =	simm.s32 $0x1B8E;
	s24 =	sld [smem:$0x3FFE];
	[sflag:s23] =	ssyncadd.s32 $0xFFFFFFFF  }
0xa6: {  	s26 =	simm.s32 $execute0_lowered;
	[smem:$0x3FD2] =	sst s25  }
0xa7: {  	s6 =	sshll.u32 s26, $0x1;
	_ =	strace $0x80000046;
	[dreg:$0x1] =	wrdreg $0xFFFFFFFF  }
0xa8: {  	s28 =	simm.s32 $_size_execute0_lowered;
	s4 =	sadd.s32 s4, s6;
	[dreg:$0x0] =	wrdreg $0x0  }
0xa9: {  	s6 =	sshll.u32 s28, $0x1;
	[dreg:$0x2] =	wrdreg s4  }
0xaa: {  	[dreg:$0x3] =	wrdreg s6  }
0xab: {  	[dreg:$0x4] =	wrdreg $0xC0  }
0xac: {  	_ =	task [dreg:s8], $0x5FFFF  }
0xad: {  	[dreg:$0x1] =	wrdreg $0xFFFFFFFF  }
0xae: {  	[dreg:$0x0] =	wrdreg $0x60  }
0xaf: {  	[dreg:$0x2] =	wrdreg s24  }
0xb0: {  	[dreg:$0x3] =	wrdreg s2  }
0xb1: {  	[dreg:$0x4] =	wrdreg s18  }
0xb2: {  	[dreg:$0x5] =	wrdreg $0x9  }
0xb3: {  	_ =	task.clear_ibuf [dreg:s8], $0x6FFFF;
	_ =	strace $0x90000046  }
0xb4: {  	s29 =	simm.s32 $0x9;
	_ =	strace $0x80000048  }
0xb5: {  	_ =	swait.ge [sflag:s29], $0x1  }
0xb6: {  	[sflag:s29] =	ssyncadd.s32 $0xFFFFFFFF  }
0xb7: {  	_ =	strace $0x90000048  }
0xb8: {  	_ =	sfence  }
0xb9: {  	s30 =	sld [smem:$0x0];
	_ =	sdelay $0x2  }
0xba: {  	s31 =	sshll.u32 s1, $0xD;
	s1 =	sshrl.u32 s1, $0x2  }
0xbb: {  	s3 =	sand.u32 $0x4000, s31;
	s1 =	sadd.s32 s1, s30  }
0xbc: {  	s0 =	sor.u32 s3, s0;
	s1 =	sshll.u32 s1, $0x11  }
0xbd: {  	s0 =	sor.u32 s1, s0  }
0xbe: {  	s0 =	sadd.s32 $0x8F2B, s0  }
0xbf: {  	[sflag:s0] =	ssyncadd.remote.s32 $0x1  }
0xc0: {  	_ =	sfence.sel $0xFFFF  }
0xc1: {  	[dreg:$0x0] =	wrdreg $0xFFFFFFFF;
	(pc) =	sbr.abs _section_cstart, $3  }
0xc2: {  	[dreg:$0x1] =	wrdreg $0xFFFFFFFF  }
0xc3: {  	_ =	task.clear_ibuf [dreg:s8], $0x2FFFF;
	_ =	strace $0x9FFFFFFF  }
0xc4: {  	(tm) =	ssettm $0x7FFFFFFF  }
0xc5: {  	_ =	shalt  }
tec
execute0_lowered:
.L_overlay_start_1:
0x0: {  	(tag) =	ssettag $0x1  }
0x1: {  	s6 =	rddreg [dreg:$0x0]  }
0x2: {  	s2 =	rddreg [dreg:$0x1];
	s1 =	srdreg.scid  }
0x3: {  	s0 =	stileid.u32;
	s3 =	rddreg [dreg:$0x2]  }
0x4: {  	s4 =	simm.s32 $0x0;
	s16 =	simm.s32 $0x3700;
	s17 =	simm.s32 $0x1  }
0x5: {  	s18 =	simm.s32 $0x2;
	s20 =	simm.s32 $0x4;
	s21 =	simm.s32 $0x0  }
0x6: {  	s7 =	sand.u32 $0x1, s1;
	s5 =	sshll.u32 s0, $0x1;
	[smem:$0x7FF] =	sst s4  }
0x7: {  	s1 =	rddreg [dreg:$0x3];
	s19 =	sor.u32 s7, s5;
	_ =	strace $0x80000047  }
0x8: {  	s5 =	sadd.s32 $0x187800, s6;
	s7 =	ssub.s32 $0x2, s7;
	s8 =	smul.u32 $0x61A80, s19  }
0x9: {  	s9 =	sshll.u32 s19, $0x3;
	s31 =	sshrl.u32 s7, $0x1;
	p0 =	sne.s32 s19, $0x0  }
0xa: {  	s19 =	simm.s32 $0x6E00;
	s14 =	sadd.s32 s9, s6;
	s8 =	sshrl.u32 s8, $0x3  }
0xb: {  	s15 =	ssub.s32 s7, s31;
	s14 =	sadd.s32 $0x30E200, s14;
	s13 =	sadd.s32 s5, s8  }
0xc: {  	s15 =	smax.u32 s15, $0x1;
	s6 =	sadd.s32 $0x2328, s13;
	s7 =	sadd.s32 $0x29FE, s13  }
0xd: {  	s8 =	sadd.s32 $0x53FC, s13;
	s9 =	sadd.s32 $0x5AD2, s13;
	s10 =	sadd.s32 $0x84D0, s13  }
0xe: {  	s11 =	sadd.s32 $0x8BA6, s13;
	s12 =	sadd.s32 $0xB5A4, s13;
	s13 =	sadd.s32 $0xBC7A, s13  }
.LBB2_1:
0xf: {  	[tilespmem:s4], [sflag:$0x1] =	stream.linear.gather [hbm4b:s6+s4], $0x36B0, $0x38;
	[tilespmem:$0x7000] =	vst v63  }
0x10: {  	_ = 	snop  }
0x11: {  	[tilespmem:s16], [sflag:$0x2] =	stream.linear.gather [hbm4b:s7+s4], $0x36B0, $0x38;
	[tilespmem:$0x7000] =	vst v63  }
0x12: {  	_ =	swait.ge [sflag:s17], $0x36B0  }
0x13: {  	[sflag:s17] =	ssyncset.done $0x0  }
0x14: {  	s22 =	simm.s32 $0x0;
	[sflag:s17] =	ssyncadd.s32 $0xFFFFC950  }
0x15: {  	v0 =	vld [tilespmem:s22+$0x40]  }
0x16: {  	v1 =	vld [tilespmem:s22+$0x0]  }
0x17: {  	v2 =	vld [tilespmem:s22+$0x10]  }
0x18: {  	v3 =	vld [tilespmem:s22+$0x20]  }
0x19: {  	s31 =	simm.s32 $0x50;
	v4 =	vld [tilespmem:s22+$0x30]  }
0x1a: {  	v5 =	vld [tilespmem:s31+$0x40];
	v0 =	vmul.f32 $1.442695020e+00, v0  }
0x1b: {  	v6 =	vld [tilespmem:s31+$0x0];
	v1 =	vmul.f32 $1.442695020e+00, v1  }
0x1c: {  	v2 =	vmul.f32 $1.442695020e+00, v2;
	(erf) = vpow2.f32 v0;
	v0 =	vld [tilespmem:s31+$0x10]  }
0x1d: {  	v3 =	vmul.f32 $1.442695020e+00, v3;
	(erf) = vpow2.f32 v1;
	v1 =	vld [tilespmem:s31+$0x20]  }
0x1e: {  	v4 =	vmul.f32 $1.442695020e+00, v4;
	(erf) = vpow2.f32 v2  }
0x1f: {  	(erf) = vpow2.f32 v3;
	v3 =	vmul.f32 $1.442695020e+00, v5  }
0x20: {  	(erf) = vpow2.f32 v4;
	v4 =	vmul.f32 $1.442695020e+00, v6  }
0x21: {  	v2 =	vld [tilespmem:s31+$0x30];
	v7 =	vmul.f32 $1.442695020e+00, v0;
	(erf) = vpow2.f32 v3  }
0x22: {  	s23 =	simm.s32 $0xA0;
	v1 =	vmul.f32 $1.442695020e+00, v1;
	(erf) = vpow2.f32 v4  }
0x23: {  	v5 =	vld [tilespmem:s23+$0x40];
	(erf) = vpow2.f32 v7  }
0x24: {  	v6 =	vld [tilespmem:s23+$0x0];
	(erf) = vpow2.f32 v1  }
0x25: {  	v9 =	vld [tilespmem:s23+$0x10]  }
0x26: {  	v8 =	vld [tilespmem:s23+$0x20];
	v0 =	vimm.f32 $0.0e+00;
	v3 =	vimm.f32 $0.0e+00;
	v11 =	vmul.f32 $1.442695020e+00, v2  }
0x27: {  	s22 =	simm.s32 $0x3C0;
	v10 =	vld [tilespmem:s23+$0x30];
	v4 =	vimm.f32 $0.0e+00;
	v2 =	vimm.f32 $0.0e+00;
	v1 =	vimm.f32 $0.0e+00;
	v7 =	vpop (erf)  }
.LBB2_2:
0x28: {  	s23 =	sshra.s32 s22, $0x2;
	p1 =	sne.s32 s22, $0xD980;
	s22 =	sadd.s32 $0x140, s22;
	v12 =	vmul.f32 $1.442695020e+00, v5;
	(erf) = vpow2.f32 v11;
	v0 =	vadd.f32 v7, v0;
	v7 =	vpop (erf)  }
.Ltmp0:
0x29: {  	v5 =	vld [tilespmem:s23+$0x40];
	v11 =	vmul.f32 $1.442695020e+00, v6;
	v2 =	vadd.f32 v7, v2;
	v7 =	vpop (erf);
	(pc) =	sbr.rel @p1 .LBB2_2-.Ltmp0, $4  }
0x2a: {  	v6 =	vld [tilespmem:s23+$0x0];
	v13 =	vmul.f32 $1.442695020e+00, v9;
	(erf) = vpow2.f32 v12;
	v4 =	vadd.f32 v7, v4;
	v7 =	vpop (erf)  }
0x2b: {  	v9 =	vld [tilespmem:s23+$0x10];
	v12 =	vmul.f32 $1.442695020e+00, v8;
	(erf) = vpow2.f32 v11;
	v3 =	vadd.f32 v7, v3;
	v7 =	vpop (erf)  }
0x2c: {  	v8 =	vld [tilespmem:s23+$0x20];
	v11 =	vmul.f32 $1.442695020e+00, v10;
	(erf) = vpow2.f32 v13;
	v1 =	vadd.f32 v7, v1  }
0x2d: {  	v10 =	vld [tilespmem:s23+$0x30];
	(erf) = vpow2.f32 v12;
	v7 =	vpop (erf)  }
0x2e: {  	v5 =	vmul.f32 $1.442695020e+00, v5  }
0x2f: {  	v6 =	vmul.f32 $1.442695020e+00, v6  }
0x30: {  	(erf) = vpow2.f32 v11;
	v9 =	vmul.f32 $1.442695020e+00, v9  }
0x31: {  	v11 =	vpop (erf);
	(erf) = vpow2.f32 v5;
	v8 =	vmul.f32 $1.442695020e+00, v8  }
0x32: {  	v5 =	vpop (erf);
	(erf) = vpow2.f32 v6;
	v10 =	vmul.f32 $1.442695020e+00, v10  }
0x33: {  	v6 =	vpop (erf);
	(erf) = vpow2.f32 v9  }
0x34: {  	v9 =	vpop (erf);
	(erf) = vpow2.f32 v8  }
0x35: {  	v8 =	vpop (erf);
	(erf) = vpow2.f32 v10  }
0x36: {  	v10 =	vpop (erf)  }
0x37: {  	v12 =	vpop (erf)  }
0x38: {  	v13 =	vpop (erf)  }
0x39: {  	v14 =	vpop (erf)  }
0x3a: {  	v15 =	vpop (erf)  }
0x3b: {  	v16 =	vpop (erf)  }
0x3c: {  	v17 =	vpop (erf)  }
0x3d: {  	s22 =	simm.s32 $0x0;
	v18 =	vpop (erf)  }
0x3e: {  	[tilespmem:s22], [sflag:$0x1] =	stream.linear.gather [hbm4b:s8+s22], $0x36B0, $0x38;
	v19 =	vpop (erf);
	[tilespmem:$0x7000] =	vst v63  }
0x3f: {  	_ =	swait.ge [sflag:s18], $0x36B0  }
0x40: {  	[sflag:s18] =	ssyncset.done $0x0  }
0x41: {  	s30 =	simm.s32 $0x0;
	[sflag:s18] =	ssyncadd.s32 $0xFFFFC950  }
0x42: {  	v20 =	vld [tilespmem:s30+$0x3740]  }
0x43: {  	v21 =	vld [tilespmem:s30+$0x3700]  }
0x44: {  	v22 =	vld [tilespmem:s30+$0x3710]  }
0x45: {  	v23 =	vld [tilespmem:s30+$0x3720]  }
0x46: {  	v0 =	vadd.f32 v7, v0;
	s31 =	simm.s32 $0x50;
	v7 =	vld [tilespmem:s30+$0x3730]  }
0x47: {  	v2 =	vadd.f32 v11, v2;
	v4 =	vadd.f32 v5, v4;
	v5 =	vld [tilespmem:s31+$0x3740];
	v20 =	vmul.f32 $1.442695020e+00, v20  }
0x48: {  	v3 =	vadd.f32 v6, v3;
	v1 =	vadd.f32 v9, v1;
	v11 =	vld [tilespmem:s31+$0x3700];
	v6 =	vmul.f32 $1.442695020e+00, v21  }
0x49: {  	v0 =	vadd.f32 v8, v0;
	v9 =	vld [tilespmem:s31+$0x3710];
	v8 =	vmul.f32 $1.442695020e+00, v22;
	(erf) = vpow2.f32 v20  }
0x4a: {  	v2 =	vadd.f32 v10, v2;
	v61 =	vld [tilespmem:s31+$0x3720];
	v10 =	vmul.f32 $1.442695020e+00, v23;
	(erf) = vpow2.f32 v6  }
0x4b: {  	v6 =	vmul.f32 $1.442695020e+00, v7;
	(erf) = vpow2.f32 v8  }
0x4c: {  	v7 =	vmul.f32 $1.442695020e+00, v5;
	(erf) = vpow2.f32 v10  }
0x4d: {  	v8 =	vmul.f32 $1.442695020e+00, v11;
	(erf) = vpow2.f32 v6  }
0x4e: {  	v9 =	vmul.f32 $1.442695020e+00, v9;
	v10 =	vld [tilespmem:s31+$0x3730];
	(erf) = vpow2.f32 v7  }
0x4f: {  	s23 =	simm.s32 $0xA0;
	v63 =	vmul.f32 $1.442695020e+00, v61;
	(erf) = vpow2.f32 v8  }
0x50: {  	v5 =	vld [tilespmem:s23+$0x3740];
	(erf) = vpow2.f32 v9  }
0x51: {  	v4 =	vadd.f32 v12, v4;
	v3 =	vadd.f32 v13, v3;
	v6 =	vld [tilespmem:s23+$0x3700];
	(erf) = vpow2.f32 v63  }
0x52: {  	v62 =	vadd.f32 v14, v1;
	v0 =	vadd.f32 v15, v0;
	v7 =	vld [tilespmem:s23+$0x3710]  }
0x53: {  	v1 =	vadd.f32 v16, v2;
	v4 =	vadd.f32 v17, v4;
	v8 =	vld [tilespmem:s23+$0x3720];
	v11 =	vmul.f32 $1.442695020e+00, v10  }
0x54: {  	s22 =	simm.s32 $0x3C0;
	v3 =	vadd.f32 v18, v3;
	v2 =	vadd.f32 v19, v62;
	v9 =	vld [tilespmem:s23+$0x3730];
	v10 =	vpop (erf)  }
.LBB2_4:
0x55: {  	s23 =	sshra.s32 s22, $0x2;
	p1 =	sne.s32 s22, $0xD980;
	s22 =	sadd.s32 $0x140, s22;
	v12 =	vmul.f32 $1.442695020e+00, v5;
	(erf) = vpow2.f32 v11;
	v0 =	vadd.f32 v10, v0;
	v10 =	vpop (erf)  }
.Ltmp1:
0x56: {  	v5 =	vld [tilespmem:s23+$0x3740];
	v11 =	vmul.f32 $1.442695020e+00, v6;
	v1 =	vadd.f32 v10, v1;
	v10 =	vpop (erf);
	(pc) =	sbr.rel @p1 .LBB2_4-.Ltmp1, $4  }
0x57: {  	v6 =	vld [tilespmem:s23+$0x3700];
	v13 =	vmul.f32 $1.442695020e+00, v7;
	(erf) = vpow2.f32 v12;
	v4 =	vadd.f32 v10, v4;
	v10 =	vpop (erf)  }
0x58: {  	v7 =	vld [tilespmem:s23+$0x3710];
	v12 =	vmul.f32 $1.442695020e+00, v8;
	(erf) = vpow2.f32 v11;
	v3 =	vadd.f32 v10, v3;
	v10 =	vpop (erf)  }
0x59: {  	v8 =	vld [tilespmem:s23+$0x3720];
	v11 =	vmul.f32 $1.442695020e+00, v9;
	(erf) = vpow2.f32 v13;
	v2 =	vadd.f32 v10, v2  }
0x5a: {  	v9 =	vld [tilespmem:s23+$0x3730];
	(erf) = vpow2.f32 v12;
	v10 =	vpop (erf)  }
0x5b: {  	v5 =	vmul.f32 $1.442695020e+00, v5  }
0x5c: {  	v6 =	vmul.f32 $1.442695020e+00, v6  }
0x5d: {  	(erf) = vpow2.f32 v11;
	v7 =	vmul.f32 $1.442695020e+00, v7  }
0x5e: {  	v11 =	vpop (erf);
	(erf) = vpow2.f32 v5;
	v8 =	vmul.f32 $1.442695020e+00, v8  }
0x5f: {  	v5 =	vpop (erf);
	(erf) = vpow2.f32 v6  }
0x60: {  	v9 =	vmul.f32 $1.442695020e+00, v9;
	v6 =	vpop (erf);
	(erf) = vpow2.f32 v7  }
0x61: {  	v7 =	vpop (erf)  }
0x62: {  	(erf) = vpow2.f32 v8;
	v8 =	vpop (erf)  }
0x63: {  	v12 =	vpop (erf)  }
0x64: {  	(erf) = vpow2.f32 v9;
	v9 =	vpop (erf)  }
0x65: {  	v13 =	vpop (erf)  }
0x66: {  	v4 =	vadd.f32 v5, v4;
	v5 =	vpop (erf)  }
0x67: {  	v1 =	vadd.f32 v11, v1;
	v3 =	vadd.f32 v6, v3;
	v6 =	vpop (erf)  }
0x68: {  	v4 =	vadd.f32 v9, v4;
	v9 =	vpop (erf)  }
0x69: {  	v2 =	vadd.f32 v7, v2;
	v1 =	vadd.f32 v12, v1;
	v7 =	vpop (erf)  }
0x6a: {  	v4 =	vadd.f32 v7, v4  }
0x6b: {  	v3 =	vadd.f32 v13, v3;
	v1 =	vadd.f32 v9, v1  }
0x6c: {  	v0 =	vadd.f32 v10, v0;
	v2 =	vadd.f32 v5, v2;
	v5 =	vpop (erf)  }
0x6d: {  	v3 =	vadd.f32 v5, v3;
	v1 =	vadd.f32 v4, v1  }
0x6e: {  	v0 =	vadd.f32 v8, v0;
	v4 =	vpop (erf)  }
0x6f: {  	v1 =	vadd.f32 v3, v1;
	v2 =	vadd.f32 v4, v2;
	_ =	sdelay $0x1  }
0x70: {  	v0 =	vadd.f32 v6, v0;
	v1 =	vadd.f32 v2, v1;
	_ =	sdelay $0x1  }
0x71: {  	v0 =	vadd.f32 v0, v1;
	_ =	sdelay $0x1  }
0x72: {  	s22 =	simm.s32 $0x0;
	[tilespmem:$0x6E00] =	vst v0  }
0x73: {  	[tilespmem:s16], [sflag:$0x2] =	stream.linear.gather [hbm4b:s9+s22], $0x36B0, $0x38;
	[tilespmem:$0x7000] =	vst v63  }
0x74: {  	_ =	swait.ge [sflag:s17], $0x36B0  }
0x75: {  	[sflag:s17] =	ssyncset.done $0x0  }
0x76: {  	s30 =	simm.s32 $0x0;
	[sflag:s17] =	ssyncadd.s32 $0xFFFFC950  }
0x77: {  	v0 =	vld [tilespmem:s30+$0x40]  }
0x78: {  	v1 =	vld [tilespmem:s30+$0x0]  }
0x79: {  	v2 =	vld [tilespmem:s30+$0x10]  }
0x7a: {  	v3 =	vld [tilespmem:s30+$0x20]  }
0x7b: {  	s31 =	simm.s32 $0x50;
	v4 =	vld [tilespmem:s30+$0x30]  }
0x7c: {  	v5 =	vld [tilespmem:s31+$0x40];
	v0 =	vmul.f32 $1.442695020e+00, v0  }
0x7d: {  	v6 =	vld [tilespmem:s31+$0x0];
	v1 =	vmul.f32 $1.442695020e+00, v1  }
0x7e: {  	v2 =	vmul.f32 $1.442695020e+00, v2;
	(erf) = vpow2.f32 v0;
	v0 =	vld [tilespmem:s31+$0x10]  }
0x7f: {  	v3 =	vmul.f32 $1.442695020e+00, v3;
	(erf) = vpow2.f32 v1;
	v1 =	vld [tilespmem:s31+$0x20]  }
0x80: {  	v4 =	vmul.f32 $1.442695020e+00, v4;
	(erf) = vpow2.f32 v2  }
0x81: {  	(erf) = vpow2.f32 v3;
	v3 =	vmul.f32 $1.442695020e+00, v5  }
0x82: {  	(erf) = vpow2.f32 v4;
	v4 =	vmul.f32 $1.442695020e+00, v6  }
0x83: {  	v2 =	vld [tilespmem:s31+$0x30];
	v7 =	vmul.f32 $1.442695020e+00, v0;
	(erf) = vpow2.f32 v3  }
0x84: {  	s23 =	simm.s32 $0xA0;
	v1 =	vmul.f32 $1.442695020e+00, v1;
	(erf) = vpow2.f32 v4  }
0x85: {  	v5 =	vld [tilespmem:s23+$0x40];
	(erf) = vpow2.f32 v7  }
0x86: {  	v6 =	vld [tilespmem:s23+$0x0];
	(erf) = vpow2.f32 v1  }
0x87: {  	v9 =	vld [tilespmem:s23+$0x10]  }
0x88: {  	v8 =	vld [tilespmem:s23+$0x20];
	v0 =	vimm.f32 $0.0e+00;
	v3 =	vimm.f32 $0.0e+00;
	v11 =	vmul.f32 $1.442695020e+00, v2  }
0x89: {  	s22 =	simm.s32 $0x3C0;
	v10 =	vld [tilespmem:s23+$0x30];
	v4 =	vimm.f32 $0.0e+00;
	v2 =	vimm.f32 $0.0e+00;
	v1 =	vimm.f32 $0.0e+00;
	v7 =	vpop (erf)  }
.LBB2_6:
0x8a: {  	s23 =	sshra.s32 s22, $0x2;
	p1 =	sne.s32 s22, $0xD980;
	s22 =	sadd.s32 $0x140, s22;
	v12 =	vmul.f32 $1.442695020e+00, v5;
	(erf) = vpow2.f32 v11;
	v0 =	vadd.f32 v7, v0;
	v7 =	vpop (erf)  }
.Ltmp2:
0x8b: {  	v5 =	vld [tilespmem:s23+$0x40];
	v11 =	vmul.f32 $1.442695020e+00, v6;
	v2 =	vadd.f32 v7, v2;
	v7 =	vpop (erf);
	(pc) =	sbr.rel @p1 .LBB2_6-.Ltmp2, $4  }
0x8c: {  	v6 =	vld [tilespmem:s23+$0x0];
	v13 =	vmul.f32 $1.442695020e+00, v9;
	(erf) = vpow2.f32 v12;
	v4 =	vadd.f32 v7, v4;
	v7 =	vpop (erf)  }
0x8d: {  	v9 =	vld [tilespmem:s23+$0x10];
	v12 =	vmul.f32 $1.442695020e+00, v8;
	(erf) = vpow2.f32 v11;
	v3 =	vadd.f32 v7, v3;
	v7 =	vpop (erf)  }
0x8e: {  	v8 =	vld [tilespmem:s23+$0x20];
	v11 =	vmul.f32 $1.442695020e+00, v10;
	(erf) = vpow2.f32 v13;
	v1 =	vadd.f32 v7, v1  }
0x8f: {  	v10 =	vld [tilespmem:s23+$0x30];
	(erf) = vpow2.f32 v12;
	v7 =	vpop (erf)  }
0x90: {  	v5 =	vmul.f32 $1.442695020e+00, v5  }
0x91: {  	v6 =	vmul.f32 $1.442695020e+00, v6  }
0x92: {  	(erf) = vpow2.f32 v11;
	v9 =	vmul.f32 $1.442695020e+00, v9  }
0x93: {  	v11 =	vpop (erf);
	(erf) = vpow2.f32 v5;
	v8 =	vmul.f32 $1.442695020e+00, v8  }
0x94: {  	v5 =	vpop (erf);
	(erf) = vpow2.f32 v6;
	v10 =	vmul.f32 $1.442695020e+00, v10  }
0x95: {  	v6 =	vpop (erf);
	(erf) = vpow2.f32 v9  }
0x96: {  	v9 =	vpop (erf);
	(erf) = vpow2.f32 v8  }
0x97: {  	v8 =	vpop (erf);
	(erf) = vpow2.f32 v10  }
0x98: {  	v10 =	vpop (erf)  }
0x99: {  	v12 =	vpop (erf)  }
0x9a: {  	v13 =	vpop (erf)  }
0x9b: {  	v14 =	vpop (erf)  }
0x9c: {  	v15 =	vpop (erf)  }
0x9d: {  	v16 =	vpop (erf)  }
0x9e: {  	v17 =	vpop (erf)  }
0x9f: {  	s22 =	simm.s32 $0x0;
	v18 =	vpop (erf)  }
0xa0: {  	[tilespmem:s22], [sflag:$0x1] =	stream.linear.gather [hbm4b:s10+s22], $0x36B0, $0x38;
	v19 =	vpop (erf);
	[tilespmem:$0x7000] =	vst v63  }
0xa1: {  	_ =	swait.ge [sflag:s18], $0x36B0  }
0xa2: {  	[sflag:s18] =	ssyncset.done $0x0  }
0xa3: {  	s30 =	simm.s32 $0x0;
	[sflag:s18] =	ssyncadd.s32 $0xFFFFC950  }
0xa4: {  	v20 =	vld [tilespmem:s30+$0x3740]  }
0xa5: {  	v21 =	vld [tilespmem:s30+$0x3700]  }
0xa6: {  	v22 =	vld [tilespmem:s30+$0x3710]  }
0xa7: {  	v23 =	vld [tilespmem:s30+$0x3720]  }
0xa8: {  	v0 =	vadd.f32 v7, v0;
	s31 =	simm.s32 $0x50;
	v7 =	vld [tilespmem:s30+$0x3730]  }
0xa9: {  	v2 =	vadd.f32 v11, v2;
	v4 =	vadd.f32 v5, v4;
	v5 =	vld [tilespmem:s31+$0x3740];
	v20 =	vmul.f32 $1.442695020e+00, v20  }
0xaa: {  	v3 =	vadd.f32 v6, v3;
	v1 =	vadd.f32 v9, v1;
	v11 =	vld [tilespmem:s31+$0x3700];
	v6 =	vmul.f32 $1.442695020e+00, v21  }
0xab: {  	v0 =	vadd.f32 v8, v0;
	v9 =	vld [tilespmem:s31+$0x3710];
	v8 =	vmul.f32 $1.442695020e+00, v22;
	(erf) = vpow2.f32 v20  }
0xac: {  	v2 =	vadd.f32 v10, v2;
	v61 =	vld [tilespmem:s31+$0x3720];
	v10 =	vmul.f32 $1.442695020e+00, v23;
	(erf) = vpow2.f32 v6  }
0xad: {  	v6 =	vmul.f32 $1.442695020e+00, v7;
	(erf) = vpow2.f32 v8  }
0xae: {  	v7 =	vmul.f32 $1.442695020e+00, v5;
	(erf) = vpow2.f32 v10  }
0xaf: {  	v8 =	vmul.f32 $1.442695020e+00, v11;
	(erf) = vpow2.f32 v6  }
0xb0: {  	v9 =	vmul.f32 $1.442695020e+00, v9;
	v10 =	vld [tilespmem:s31+$0x3730];
	(erf) = vpow2.f32 v7  }
0xb1: {  	s23 =	simm.s32 $0xA0;
	v63 =	vmul.f32 $1.442695020e+00, v61;
	(erf) = vpow2.f32 v8  }
0xb2: {  	v5 =	vld [tilespmem:s23+$0x3740];
	(erf) = vpow2.f32 v9  }
0xb3: {  	v4 =	vadd.f32 v12, v4;
	v3 =	vadd.f32 v13, v3;
	v6 =	vld [tilespmem:s23+$0x3700];
	(erf) = vpow2.f32 v63  }
0xb4: {  	v62 =	vadd.f32 v14, v1;
	v0 =	vadd.f32 v15, v0;
	v7 =	vld [tilespmem:s23+$0x3710]  }
0xb5: {  	v1 =	vadd.f32 v16, v2;
	v4 =	vadd.f32 v17, v4;
	v8 =	vld [tilespmem:s23+$0x3720];
	v11 =	vmul.f32 $1.442695020e+00, v10  }
0xb6: {  	s22 =	simm.s32 $0x3C0;
	v3 =	vadd.f32 v18, v3;
	v2 =	vadd.f32 v19, v62;
	v9 =	vld [tilespmem:s23+$0x3730];
	v10 =	vpop (erf)  }
.LBB2_8:
0xb7: {  	s23 =	sshra.s32 s22, $0x2;
	p1 =	sne.s32 s22, $0xD980;
	s22 =	sadd.s32 $0x140, s22;
	v12 =	vmul.f32 $1.442695020e+00, v5;
	(erf) = vpow2.f32 v11;
	v0 =	vadd.f32 v10, v0;
	v10 =	vpop (erf)  }
.Ltmp3:
0xb8: {  	v5 =	vld [tilespmem:s23+$0x3740];
	v11 =	vmul.f32 $1.442695020e+00, v6;
	v1 =	vadd.f32 v10, v1;
	v10 =	vpop (erf);
	(pc) =	sbr.rel @p1 .LBB2_8-.Ltmp3, $4  }
0xb9: {  	v6 =	vld [tilespmem:s23+$0x3700];
	v13 =	vmul.f32 $1.442695020e+00, v7;
	(erf) = vpow2.f32 v12;
	v4 =	vadd.f32 v10, v4;
	v10 =	vpop (erf)  }
0xba: {  	v7 =	vld [tilespmem:s23+$0x3710];
	v12 =	vmul.f32 $1.442695020e+00, v8;
	(erf) = vpow2.f32 v11;
	v3 =	vadd.f32 v10, v3;
	v10 =	vpop (erf)  }
0xbb: {  	v8 =	vld [tilespmem:s23+$0x3720];
	v11 =	vmul.f32 $1.442695020e+00, v9;
	(erf) = vpow2.f32 v13;
	v2 =	vadd.f32 v10, v2  }
0xbc: {  	v9 =	vld [tilespmem:s23+$0x3730];
	(erf) = vpow2.f32 v12;
	v10 =	vpop (erf)  }
0xbd: {  	v5 =	vmul.f32 $1.442695020e+00, v5  }
0xbe: {  	v6 =	vmul.f32 $1.442695020e+00, v6  }
0xbf: {  	(erf) = vpow2.f32 v11;
	v7 =	vmul.f32 $1.442695020e+00, v7  }
0xc0: {  	v11 =	vpop (erf);
	(erf) = vpow2.f32 v5;
	v8 =	vmul.f32 $1.442695020e+00, v8  }
0xc1: {  	v5 =	vpop (erf);
	(erf) = vpow2.f32 v6  }
0xc2: {  	v9 =	vmul.f32 $1.442695020e+00, v9;
	v6 =	vpop (erf);
	(erf) = vpow2.f32 v7  }
0xc3: {  	v7 =	vpop (erf)  }
0xc4: {  	(erf) = vpow2.f32 v8;
	v8 =	vpop (erf)  }
0xc5: {  	v12 =	vpop (erf)  }
0xc6: {  	(erf) = vpow2.f32 v9;
	v9 =	vpop (erf)  }
0xc7: {  	v13 =	vpop (erf)  }
0xc8: {  	v4 =	vadd.f32 v5, v4;
	v5 =	vpop (erf)  }
0xc9: {  	v1 =	vadd.f32 v11, v1;
	v3 =	vadd.f32 v6, v3;
	v6 =	vpop (erf)  }
0xca: {  	v4 =	vadd.f32 v9, v4;
	v9 =	vpop (erf)  }
0xcb: {  	v2 =	vadd.f32 v7, v2;
	v1 =	vadd.f32 v12, v1;
	v7 =	vpop (erf)  }
0xcc: {  	v4 =	vadd.f32 v7, v4  }
0xcd: {  	v3 =	vadd.f32 v13, v3;
	v1 =	vadd.f32 v9, v1  }
0xce: {  	v0 =	vadd.f32 v10, v0;
	v2 =	vadd.f32 v5, v2;
	v5 =	vpop (erf)  }
0xcf: {  	v3 =	vadd.f32 v5, v3;
	v1 =	vadd.f32 v4, v1  }
0xd0: {  	v0 =	vadd.f32 v8, v0;
	v4 =	vpop (erf)  }
0xd1: {  	v1 =	vadd.f32 v3, v1;
	v2 =	vadd.f32 v4, v2;
	_ =	sdelay $0x1  }
0xd2: {  	v0 =	vadd.f32 v6, v0;
	v1 =	vadd.f32 v2, v1;
	_ =	sdelay $0x1  }
0xd3: {  	v0 =	vadd.f32 v0, v1;
	_ =	sdelay $0x1  }
0xd4: {  	s22 =	simm.s32 $0x0;
	[tilespmem:$0x6E10] =	vst v0  }
0xd5: {  	[tilespmem:s16], [sflag:$0x2] =	stream.linear.gather [hbm4b:s11+s22], $0x36B0, $0x38;
	[tilespmem:$0x7000] =	vst v63  }
0xd6: {  	_ =	swait.ge [sflag:s17], $0x36B0  }
0xd7: {  	[sflag:s17] =	ssyncset.done $0x0  }
0xd8: {  	s30 =	simm.s32 $0x0;
	[sflag:s17] =	ssyncadd.s32 $0xFFFFC950  }
0xd9: {  	v0 =	vld [tilespmem:s30+$0x40]  }
0xda: {  	v1 =	vld [tilespmem:s30+$0x0]  }
0xdb: {  	v2 =	vld [tilespmem:s30+$0x10]  }
0xdc: {  	v3 =	vld [tilespmem:s30+$0x20]  }
0xdd: {  	s31 =	simm.s32 $0x50;
	v4 =	vld [tilespmem:s30+$0x30]  }
0xde: {  	v5 =	vld [tilespmem:s31+$0x40];
	v0 =	vmul.f32 $1.442695020e+00, v0  }
0xdf: {  	v6 =	vld [tilespmem:s31+$0x0];
	v1 =	vmul.f32 $1.442695020e+00, v1  }
0xe0: {  	v2 =	vmul.f32 $1.442695020e+00, v2;
	(erf) = vpow2.f32 v0;
	v0 =	vld [tilespmem:s31+$0x10]  }
0xe1: {  	v3 =	vmul.f32 $1.442695020e+00, v3;
	(erf) = vpow2.f32 v1;
	v1 =	vld [tilespmem:s31+$0x20]  }
0xe2: {  	v4 =	vmul.f32 $1.442695020e+00, v4;
	(erf) = vpow2.f32 v2  }
0xe3: {  	(erf) = vpow2.f32 v3;
	v3 =	vmul.f32 $1.442695020e+00, v5  }
0xe4: {  	(erf) = vpow2.f32 v4;
	v4 =	vmul.f32 $1.442695020e+00, v6  }
0xe5: {  	v2 =	vld [tilespmem:s31+$0x30];
	v7 =	vmul.f32 $1.442695020e+00, v0;
	(erf) = vpow2.f32 v3  }
0xe6: {  	s23 =	simm.s32 $0xA0;
	v1 =	vmul.f32 $1.442695020e+00, v1;
	(erf) = vpow2.f32 v4  }
0xe7: {  	v5 =	vld [tilespmem:s23+$0x40];
	(erf) = vpow2.f32 v7  }
0xe8: {  	v6 =	vld [tilespmem:s23+$0x0];
	(erf) = vpow2.f32 v1  }
0xe9: {  	v9 =	vld [tilespmem:s23+$0x10]  }
0xea: {  	v8 =	vld [tilespmem:s23+$0x20];
	v0 =	vimm.f32 $0.0e+00;
	v3 =	vimm.f32 $0.0e+00;
	v11 =	vmul.f32 $1.442695020e+00, v2  }
0xeb: {  	s22 =	simm.s32 $0x3C0;
	v10 =	vld [tilespmem:s23+$0x30];
	v4 =	vimm.f32 $0.0e+00;
	v2 =	vimm.f32 $0.0e+00;
	v1 =	vimm.f32 $0.0e+00;
	v7 =	vpop (erf)  }
.LBB2_10:
0xec: {  	s23 =	sshra.s32 s22, $0x2;
	p1 =	sne.s32 s22, $0xD980;
	s22 =	sadd.s32 $0x140, s22;
	v12 =	vmul.f32 $1.442695020e+00, v5;
	(erf) = vpow2.f32 v11;
	v0 =	vadd.f32 v7, v0;
	v7 =	vpop (erf)  }
.Ltmp4:
0xed: {  	v5 =	vld [tilespmem:s23+$0x40];
	v11 =	vmul.f32 $1.442695020e+00, v6;
	v2 =	vadd.f32 v7, v2;
	v7 =	vpop (erf);
	(pc) =	sbr.rel @p1 .LBB2_10-.Ltmp4, $4  }
0xee: {  	v6 =	vld [tilespmem:s23+$0x0];
	v13 =	vmul.f32 $1.442695020e+00, v9;
	(erf) = vpow2.f32 v12;
	v4 =	vadd.f32 v7, v4;
	v7 =	vpop (erf)  }
0xef: {  	v9 =	vld [tilespmem:s23+$0x10];
	v12 =	vmul.f32 $1.442695020e+00, v8;
	(erf) = vpow2.f32 v11;
	v3 =	vadd.f32 v7, v3;
	v7 =	vpop (erf)  }
0xf0: {  	v8 =	vld [tilespmem:s23+$0x20];
	v11 =	vmul.f32 $1.442695020e+00, v10;
	(erf) = vpow2.f32 v13;
	v1 =	vadd.f32 v7, v1  }
0xf1: {  	v10 =	vld [tilespmem:s23+$0x30];
	(erf) = vpow2.f32 v12;
	v7 =	vpop (erf)  }
0xf2: {  	v5 =	vmul.f32 $1.442695020e+00, v5  }
0xf3: {  	v6 =	vmul.f32 $1.442695020e+00, v6  }
0xf4: {  	(erf) = vpow2.f32 v11;
	v9 =	vmul.f32 $1.442695020e+00, v9  }
0xf5: {  	v11 =	vpop (erf);
	(erf) = vpow2.f32 v5;
	v8 =	vmul.f32 $1.442695020e+00, v8  }
0xf6: {  	v5 =	vpop (erf);
	(erf) = vpow2.f32 v6;
	v10 =	vmul.f32 $1.442695020e+00, v10  }
0xf7: {  	v6 =	vpop (erf);
	(erf) = vpow2.f32 v9  }
0xf8: {  	v9 =	vpop (erf);
	(erf) = vpow2.f32 v8  }
0xf9: {  	v8 =	vpop (erf);
	(erf) = vpow2.f32 v10  }
0xfa: {  	v10 =	vpop (erf)  }
0xfb: {  	v12 =	vpop (erf)  }
0xfc: {  	v13 =	vpop (erf)  }
0xfd: {  	v14 =	vpop (erf)  }
0xfe: {  	v15 =	vpop (erf)  }
0xff: {  	v16 =	vpop (erf)  }
0x100: {  	v17 =	vpop (erf)  }
0x101: {  	s22 =	simm.s32 $0x0;
	v18 =	vpop (erf)  }
0x102: {  	[tilespmem:s22], [sflag:$0x1] =	stream.linear.gather [hbm4b:s12+s22], $0x36B0, $0x38;
	v19 =	vpop (erf);
	[tilespmem:$0x7000] =	vst v63  }
0x103: {  	_ =	swait.ge [sflag:s18], $0x36B0  }
0x104: {  	[sflag:s18] =	ssyncset.done $0x0  }
0x105: {  	s30 =	simm.s32 $0x0;
	[sflag:s18] =	ssyncadd.s32 $0xFFFFC950  }
0x106: {  	v20 =	vld [tilespmem:s30+$0x3740]  }
0x107: {  	v21 =	vld [tilespmem:s30+$0x3700]  }
0x108: {  	v22 =	vld [tilespmem:s30+$0x3710]  }
0x109: {  	v23 =	vld [tilespmem:s30+$0x3720]  }
0x10a: {  	v0 =	vadd.f32 v7, v0;
	s31 =	simm.s32 $0x50;
	v7 =	vld [tilespmem:s30+$0x3730]  }
0x10b: {  	v2 =	vadd.f32 v11, v2;
	v4 =	vadd.f32 v5, v4;
	v5 =	vld [tilespmem:s31+$0x3740];
	v20 =	vmul.f32 $1.442695020e+00, v20  }
0x10c: {  	v3 =	vadd.f32 v6, v3;
	v1 =	vadd.f32 v9, v1;
	v11 =	vld [tilespmem:s31+$0x3700];
	v6 =	vmul.f32 $1.442695020e+00, v21  }
0x10d: {  	v0 =	vadd.f32 v8, v0;
	v9 =	vld [tilespmem:s31+$0x3710];
	v8 =	vmul.f32 $1.442695020e+00, v22;
	(erf) = vpow2.f32 v20  }
0x10e: {  	v2 =	vadd.f32 v10, v2;
	v61 =	vld [tilespmem:s31+$0x3720];
	v10 =	vmul.f32 $1.442695020e+00, v23;
	(erf) = vpow2.f32 v6  }
0x10f: {  	v6 =	vmul.f32 $1.442695020e+00, v7;
	(erf) = vpow2.f32 v8  }
0x110: {  	v7 =	vmul.f32 $1.442695020e+00, v5;
	(erf) = vpow2.f32 v10  }
0x111: {  	v8 =	vmul.f32 $1.442695020e+00, v11;
	(erf) = vpow2.f32 v6  }
0x112: {  	v9 =	vmul.f32 $1.442695020e+00, v9;
	v10 =	vld [tilespmem:s31+$0x3730];
	(erf) = vpow2.f32 v7  }
0x113: {  	s23 =	simm.s32 $0xA0;
	v63 =	vmul.f32 $1.442695020e+00, v61;
	(erf) = vpow2.f32 v8  }
0x114: {  	v5 =	vld [tilespmem:s23+$0x3740];
	(erf) = vpow2.f32 v9  }
0x115: {  	v4 =	vadd.f32 v12, v4;
	v3 =	vadd.f32 v13, v3;
	v6 =	vld [tilespmem:s23+$0x3700];
	(erf) = vpow2.f32 v63  }
0x116: {  	v62 =	vadd.f32 v14, v1;
	v0 =	vadd.f32 v15, v0;
	v7 =	vld [tilespmem:s23+$0x3710]  }
0x117: {  	v1 =	vadd.f32 v16, v2;
	v4 =	vadd.f32 v17, v4;
	v8 =	vld [tilespmem:s23+$0x3720];
	v11 =	vmul.f32 $1.442695020e+00, v10  }
0x118: {  	s22 =	simm.s32 $0x3C0;
	v3 =	vadd.f32 v18, v3;
	v2 =	vadd.f32 v19, v62;
	v9 =	vld [tilespmem:s23+$0x3730];
	v10 =	vpop (erf)  }
.LBB2_12:
0x119: {  	s23 =	sshra.s32 s22, $0x2;
	p1 =	sne.s32 s22, $0xD980;
	s22 =	sadd.s32 $0x140, s22;
	v12 =	vmul.f32 $1.442695020e+00, v5;
	(erf) = vpow2.f32 v11;
	v0 =	vadd.f32 v10, v0;
	v10 =	vpop (erf)  }
.Ltmp5:
0x11a: {  	v5 =	vld [tilespmem:s23+$0x3740];
	v11 =	vmul.f32 $1.442695020e+00, v6;
	v1 =	vadd.f32 v10, v1;
	v10 =	vpop (erf);
	(pc) =	sbr.rel @p1 .LBB2_12-.Ltmp5, $4  }
0x11b: {  	v6 =	vld [tilespmem:s23+$0x3700];
	v13 =	vmul.f32 $1.442695020e+00, v7;
	(erf) = vpow2.f32 v12;
	v4 =	vadd.f32 v10, v4;
	v10 =	vpop (erf)  }
0x11c: {  	v7 =	vld [tilespmem:s23+$0x3710];
	v12 =	vmul.f32 $1.442695020e+00, v8;
	(erf) = vpow2.f32 v11;
	v3 =	vadd.f32 v10, v3;
	v10 =	vpop (erf)  }
0x11d: {  	v8 =	vld [tilespmem:s23+$0x3720];
	v11 =	vmul.f32 $1.442695020e+00, v9;
	(erf) = vpow2.f32 v13;
	v2 =	vadd.f32 v10, v2  }
0x11e: {  	v9 =	vld [tilespmem:s23+$0x3730];
	(erf) = vpow2.f32 v12;
	v10 =	vpop (erf)  }
0x11f: {  	v5 =	vmul.f32 $1.442695020e+00, v5  }
0x120: {  	v6 =	vmul.f32 $1.442695020e+00, v6  }
0x121: {  	(erf) = vpow2.f32 v11;
	v7 =	vmul.f32 $1.442695020e+00, v7  }
0x122: {  	v11 =	vpop (erf);
	(erf) = vpow2.f32 v5;
	v8 =	vmul.f32 $1.442695020e+00, v8  }
0x123: {  	v5 =	vpop (erf);
	(erf) = vpow2.f32 v6  }
0x124: {  	v9 =	vmul.f32 $1.442695020e+00, v9;
	v6 =	vpop (erf);
	(erf) = vpow2.f32 v7  }
0x125: {  	v7 =	vpop (erf)  }
0x126: {  	(erf) = vpow2.f32 v8;
	v8 =	vpop (erf)  }
0x127: {  	v12 =	vpop (erf)  }
0x128: {  	(erf) = vpow2.f32 v9;
	v9 =	vpop (erf)  }
0x129: {  	v13 =	vpop (erf)  }
0x12a: {  	v4 =	vadd.f32 v5, v4;
	v5 =	vpop (erf)  }
0x12b: {  	v1 =	vadd.f32 v11, v1;
	v3 =	vadd.f32 v6, v3;
	v6 =	vpop (erf)  }
0x12c: {  	v4 =	vadd.f32 v9, v4;
	v9 =	vpop (erf)  }
0x12d: {  	v2 =	vadd.f32 v7, v2;
	v1 =	vadd.f32 v12, v1;
	v7 =	vpop (erf)  }
0x12e: {  	v4 =	vadd.f32 v7, v4  }
0x12f: {  	v3 =	vadd.f32 v13, v3;
	v1 =	vadd.f32 v9, v1  }
0x130: {  	v0 =	vadd.f32 v10, v0;
	v2 =	vadd.f32 v5, v2;
	v5 =	vpop (erf)  }
0x131: {  	v3 =	vadd.f32 v5, v3;
	v1 =	vadd.f32 v4, v1  }
0x132: {  	v0 =	vadd.f32 v8, v0;
	v4 =	vpop (erf)  }
0x133: {  	v1 =	vadd.f32 v3, v1;
	v2 =	vadd.f32 v4, v2;
	_ =	sdelay $0x1  }
0x134: {  	v0 =	vadd.f32 v6, v0;
	v1 =	vadd.f32 v2, v1;
	_ =	sdelay $0x1  }
0x135: {  	v0 =	vadd.f32 v0, v1;
	_ =	sdelay $0x1  }
0x136: {  	s22 =	simm.s32 $0x0;
	[tilespmem:$0x6E20] =	vst v0  }
0x137: {  	[tilespmem:s16], [sflag:$0x2] =	stream.linear.gather [hbm4b:s13+s22], $0x36B0, $0x38;
	[tilespmem:$0x7000] =	vst v63  }
0x138: {  	_ =	swait.ge [sflag:s17], $0x36B0  }
0x139: {  	[sflag:s17] =	ssyncset.done $0x0  }
0x13a: {  	s30 =	simm.s32 $0x0;
	[sflag:s17] =	ssyncadd.s32 $0xFFFFC950  }
0x13b: {  	v0 =	vld [tilespmem:s30+$0x40]  }
0x13c: {  	v1 =	vld [tilespmem:s30+$0x0]  }
0x13d: {  	v2 =	vld [tilespmem:s30+$0x10]  }
0x13e: {  	v3 =	vld [tilespmem:s30+$0x20]  }
0x13f: {  	s31 =	simm.s32 $0x50;
	v4 =	vld [tilespmem:s30+$0x30]  }
0x140: {  	v5 =	vld [tilespmem:s31+$0x40];
	v0 =	vmul.f32 $1.442695020e+00, v0  }
0x141: {  	v6 =	vld [tilespmem:s31+$0x0];
	v1 =	vmul.f32 $1.442695020e+00, v1  }
0x142: {  	v2 =	vmul.f32 $1.442695020e+00, v2;
	(erf) = vpow2.f32 v0;
	v0 =	vld [tilespmem:s31+$0x10]  }
0x143: {  	v3 =	vmul.f32 $1.442695020e+00, v3;
	(erf) = vpow2.f32 v1;
	v1 =	vld [tilespmem:s31+$0x20]  }
0x144: {  	v4 =	vmul.f32 $1.442695020e+00, v4;
	(erf) = vpow2.f32 v2  }
0x145: {  	(erf) = vpow2.f32 v3;
	v3 =	vmul.f32 $1.442695020e+00, v5  }
0x146: {  	(erf) = vpow2.f32 v4;
	v4 =	vmul.f32 $1.442695020e+00, v6  }
0x147: {  	v2 =	vld [tilespmem:s31+$0x30];
	v7 =	vmul.f32 $1.442695020e+00, v0;
	(erf) = vpow2.f32 v3  }
0x148: {  	s23 =	simm.s32 $0xA0;
	v1 =	vmul.f32 $1.442695020e+00, v1;
	(erf) = vpow2.f32 v4  }
0x149: {  	v5 =	vld [tilespmem:s23+$0x40];
	(erf) = vpow2.f32 v7  }
0x14a: {  	v6 =	vld [tilespmem:s23+$0x0];
	(erf) = vpow2.f32 v1  }
0x14b: {  	v8 =	vld [tilespmem:s23+$0x10]  }
0x14c: {  	v0 =	vimm.f32 $0.0e+00;
	v3 =	vimm.f32 $0.0e+00;
	v7 =	vld [tilespmem:s23+$0x20];
	v11 =	vmul.f32 $1.442695020e+00, v2  }
0x14d: {  	s22 =	simm.s32 $0x3C0;
	v9 =	vld [tilespmem:s23+$0x30];
	v4 =	vimm.f32 $0.0e+00;
	v2 =	vimm.f32 $0.0e+00;
	v1 =	vimm.f32 $0.0e+00;
	v10 =	vpop (erf)  }
.LBB2_14:
0x14e: {  	s23 =	sshra.s32 s22, $0x2;
	p1 =	sne.s32 s22, $0xD980;
	s22 =	sadd.s32 $0x140, s22;
	v12 =	vmul.f32 $1.442695020e+00, v5;
	(erf) = vpow2.f32 v11;
	v0 =	vadd.f32 v10, v0;
	v10 =	vpop (erf)  }
.Ltmp6:
0x14f: {  	v5 =	vld [tilespmem:s23+$0x40];
	v11 =	vmul.f32 $1.442695020e+00, v6;
	v2 =	vadd.f32 v10, v2;
	v10 =	vpop (erf);
	(pc) =	sbr.rel @p1 .LBB2_14-.Ltmp6, $4  }
0x150: {  	v6 =	vld [tilespmem:s23+$0x0];
	v13 =	vmul.f32 $1.442695020e+00, v8;
	(erf) = vpow2.f32 v12;
	v4 =	vadd.f32 v10, v4;
	v10 =	vpop (erf)  }
0x151: {  	v8 =	vld [tilespmem:s23+$0x10];
	v12 =	vmul.f32 $1.442695020e+00, v7;
	(erf) = vpow2.f32 v11;
	v3 =	vadd.f32 v10, v3;
	v10 =	vpop (erf)  }
0x152: {  	v7 =	vld [tilespmem:s23+$0x20];
	v11 =	vmul.f32 $1.442695020e+00, v9;
	(erf) = vpow2.f32 v13;
	v1 =	vadd.f32 v10, v1  }
0x153: {  	v9 =	vld [tilespmem:s23+$0x30];
	(erf) = vpow2.f32 v12;
	v10 =	vpop (erf)  }
0x154: {  	v5 =	vmul.f32 $1.442695020e+00, v5  }
0x155: {  	v6 =	vmul.f32 $1.442695020e+00, v6  }
0x156: {  	(erf) = vpow2.f32 v11;
	v8 =	vmul.f32 $1.442695020e+00, v8  }
0x157: {  	v11 =	vpop (erf);
	(erf) = vpow2.f32 v5;
	v7 =	vmul.f32 $1.442695020e+00, v7  }
0x158: {  	v5 =	vpop (erf);
	(erf) = vpow2.f32 v6;
	v9 =	vmul.f32 $1.442695020e+00, v9  }
0x159: {  	v6 =	vpop (erf);
	(erf) = vpow2.f32 v8  }
0x15a: {  	v8 =	vpop (erf);
	(erf) = vpow2.f32 v7  }
0x15b: {  	v7 =	vpop (erf);
	(erf) = vpow2.f32 v9  }
0x15c: {  	v9 =	vpop (erf)  }
0x15d: {  	v12 =	vpop (erf)  }
0x15e: {  	v13 =	vpop (erf)  }
0x15f: {  	v14 =	vpop (erf)  }
0x160: {  	v15 =	vpop (erf)  }
0x161: {  	v16 =	vpop (erf)  }
0x162: {  	v17 =	vpop (erf)  }
0x163: {  	v18 =	vpop (erf)  }
0x164: {  	v19 =	vpop (erf)  }
0x165: {  	_ =	swait.ge [sflag:s18], $0x36B0  }
0x166: {  	[sflag:s18] =	ssyncset.done $0x0  }
0x167: {  	s22 =	simm.s32 $0x0;
	[sflag:s18] =	ssyncadd.s32 $0xFFFFC950  }
0x168: {  	v20 =	vld [tilespmem:s22+$0x3740]  }
0x169: {  	v21 =	vld [tilespmem:s22+$0x3700]  }
0x16a: {  	v22 =	vld [tilespmem:s22+$0x3710]  }
0x16b: {  	v23 =	vld [tilespmem:s22+$0x3720]  }
0x16c: {  	v0 =	vadd.f32 v10, v0;
	s31 =	simm.s32 $0x50;
	v10 =	vld [tilespmem:s22+$0x3730]  }
0x16d: {  	v2 =	vadd.f32 v11, v2;
	v4 =	vadd.f32 v5, v4;
	v5 =	vld [tilespmem:s31+$0x3740];
	v20 =	vmul.f32 $1.442695020e+00, v20  }
0x16e: {  	v3 =	vadd.f32 v6, v3;
	v1 =	vadd.f32 v8, v1;
	v11 =	vld [tilespmem:s31+$0x3700];
	v6 =	vmul.f32 $1.442695020e+00, v21  }
0x16f: {  	v0 =	vadd.f32 v7, v0;
	v8 =	vld [tilespmem:s31+$0x3710];
	v7 =	vmul.f32 $1.442695020e+00, v22;
	(erf) = vpow2.f32 v20  }
0x170: {  	v2 =	vadd.f32 v9, v2;
	v62 =	vld [tilespmem:s31+$0x3720];
	v9 =	vmul.f32 $1.442695020e+00, v23;
	(erf) = vpow2.f32 v6  }
0x171: {  	v6 =	vmul.f32 $1.442695020e+00, v10;
	(erf) = vpow2.f32 v7  }
0x172: {  	v7 =	vmul.f32 $1.442695020e+00, v5;
	(erf) = vpow2.f32 v9  }
0x173: {  	v11 =	vmul.f32 $1.442695020e+00, v11;
	(erf) = vpow2.f32 v6  }
0x174: {  	v8 =	vmul.f32 $1.442695020e+00, v8;
	v9 =	vld [tilespmem:s31+$0x3730];
	(erf) = vpow2.f32 v7  }
0x175: {  	s23 =	simm.s32 $0xA0;
	v63 =	vmul.f32 $1.442695020e+00, v62;
	(erf) = vpow2.f32 v11  }
0x176: {  	v10 =	vadd.f32 v14, v1;
	v5 =	vld [tilespmem:s23+$0x3740];
	(erf) = vpow2.f32 v8  }
0x177: {  	v4 =	vadd.f32 v12, v4;
	v3 =	vadd.f32 v13, v3;
	v6 =	vld [tilespmem:s23+$0x3700];
	(erf) = vpow2.f32 v63  }
0x178: {  	v0 =	vadd.f32 v15, v0;
	v7 =	vld [tilespmem:s23+$0x3710]  }
0x179: {  	v4 =	vadd.f32 v17, v4;
	v3 =	vadd.f32 v18, v3;
	v8 =	vld [tilespmem:s23+$0x3720];
	v11 =	vmul.f32 $1.442695020e+00, v9  }
0x17a: {  	s22 =	simm.s32 $0x3C0;
	v1 =	vadd.f32 v16, v2;
	v2 =	vadd.f32 v19, v10;
	v9 =	vld [tilespmem:s23+$0x3730];
	v10 =	vpop (erf)  }
.LBB2_16:
0x17b: {  	s23 =	sshra.s32 s22, $0x2;
	p1 =	sne.s32 s22, $0xD980;
	s22 =	sadd.s32 $0x140, s22;
	v12 =	vmul.f32 $1.442695020e+00, v5;
	(erf) = vpow2.f32 v11;
	v0 =	vadd.f32 v10, v0;
	v10 =	vpop (erf)  }
.Ltmp7:
0x17c: {  	v5 =	vld [tilespmem:s23+$0x3740];
	v11 =	vmul.f32 $1.442695020e+00, v6;
	v1 =	vadd.f32 v10, v1;
	v10 =	vpop (erf);
	(pc) =	sbr.rel @p1 .LBB2_16-.Ltmp7, $4  }
0x17d: {  	v6 =	vld [tilespmem:s23+$0x3700];
	v13 =	vmul.f32 $1.442695020e+00, v7;
	(erf) = vpow2.f32 v12;
	v4 =	vadd.f32 v10, v4;
	v10 =	vpop (erf)  }
0x17e: {  	v7 =	vld [tilespmem:s23+$0x3710];
	v12 =	vmul.f32 $1.442695020e+00, v8;
	(erf) = vpow2.f32 v11;
	v3 =	vadd.f32 v10, v3;
	v10 =	vpop (erf)  }
0x17f: {  	v8 =	vld [tilespmem:s23+$0x3720];
	v11 =	vmul.f32 $1.442695020e+00, v9;
	(erf) = vpow2.f32 v13;
	v2 =	vadd.f32 v10, v2  }
0x180: {  	v9 =	vld [tilespmem:s23+$0x3730];
	(erf) = vpow2.f32 v12;
	v10 =	vpop (erf)  }
0x181: {  	v5 =	vmul.f32 $1.442695020e+00, v5  }
0x182: {  	(erf) = vpow2.f32 v11;
	v6 =	vmul.f32 $1.442695020e+00, v6  }
0x183: {  	v52 =	vpop (erf);
	v7 =	vmul.f32 $1.442695020e+00, v7;
	(erf) = vpow2.f32 v5  }
0x184: {  	v53 =	vpop (erf);
	(erf) = vpow2.f32 v6  }
0x185: {  	v54 =	vpop (erf);
	v8 =	vmul.f32 $1.442695020e+00, v8;
	(erf) = vpow2.f32 v7  }
0x186: {  	v55 =	vpop (erf)  }
0x187: {  	v9 =	vmul.f32 $1.442695020e+00, v9;
	(erf) = vpow2.f32 v8;
	v56 =	vpop (erf)  }
0x188: {  	v12 =	vpop (erf)  }
0x189: {  	(erf) = vpow2.f32 v9;
	v57 =	vpop (erf)  }
0x18a: {  	v13 =	vpop (erf)  }
0x18b: {  	v1 =	vadd.f32 v52, v1;
	v4 =	vadd.f32 v53, v4;
	v58 =	vpop (erf)  }
0x18c: {  	v3 =	vadd.f32 v54, v3;
	v59 =	vpop (erf)  }
0x18d: {  	v1 =	vadd.f32 v12, v1;
	v4 =	vadd.f32 v57, v4;
	v60 =	vpop (erf)  }
0x18e: {  	v2 =	vadd.f32 v55, v2;
	v3 =	vadd.f32 v13, v3;
	v61 =	vpop (erf)  }
0x18f: {  	v1 =	vadd.f32 v60, v1;
	v4 =	vadd.f32 v61, v4  }
0x190: {  	v0 =	vadd.f32 v10, v0;
	v2 =	vadd.f32 v58, v2;
	v62 =	vpop (erf)  }
0x191: {  	v3 =	vadd.f32 v62, v3;
	v1 =	vadd.f32 v4, v1  }
0x192: {  	v0 =	vadd.f32 v56, v0;
	v63 =	vpop (erf)  }
0x193: {  	v2 =	vadd.f32 v63, v2;
	v1 =	vadd.f32 v3, v1;
	_ =	sdelay $0x1  }
0x194: {  	v0 =	vadd.f32 v59, v0;
	v1 =	vadd.f32 v2, v1;
	_ =	sdelay $0x1  }
0x195: {  	v0 =	vadd.f32 v0, v1;
	_ =	sdelay $0x1  }
0x196: {  	[tilespmem:$0x6E30] =	vst v0  }
0x197: {  	[hbm4b:s14+s4] =	stream.linear.scatter [tilespmem:s19], [sflag:$0x4], $0x40, $0x38;
	[tilespmem:$0x7000] =	vst v63  }
0x198: {  	_ =	swait.ge [sflag:s20], $0x40  }
0x199: {  	[sflag:s20] =	ssyncset.done $0x0  }
0x19a: {  	s22 =	simm.s32 @!p0 $0x0;
	s23 =	simm.s32 @!p0 $0x6E80;
	[sflag:s20] =	ssyncadd.s32 $0xFFFFFFC0  }
0x19b: {  	[tilespmem:s23], [sflag:$0x4] =	stream.linear.gather @!p0 [hbm4b:s2+s22], $0x80, $0x38;
	[tilespmem:$0x7000] =	vst v63  }
0x19c: {  	s23 =	simm.s32 @!p0 $0x4  }
0x19d: {  	_ =	swait.ge @!p0 [sflag:s23], $0x80  }
0x19e: {  	[sflag:s23] =	ssyncset.done @!p0 $0x0  }
0x19f: {  	[sflag:s23] =	ssyncadd.s32 @!p0 $0xFFFFFF80  }
0x1a0: {  	v0 =	vld @!p0 [tilespmem:$0x6E80]  }
0x1a1: {  	v1 =	vld @!p0 [tilespmem:$0x6E90]  }
0x1a2: {  	v2 =	vlaneseq.u32 @!p0;
	v3 =	vld @!p0 [tilespmem:$0x6EA0]  }
0x1a3: {  	v2 =	vmul.u32 @!p0 $0x186A0, v2;
	v4 =	vld @!p0 [tilespmem:$0x6EB0]  }
0x1a4: {  	v5 =	vld @!p0 [tilespmem:$0x6EC0]  }
0x1a5: {  	v6 =	vadd.s32 @!p0 $0x186A00, v2;
	v7 =	vld @!p0 [tilespmem:$0x6ED0];
	v0 =	vadd.s32 @!p0 v2, v0  }
0x1a6: {  	[tilespmem:$0x6F00] =	vst @!p0 v0;
	v0 =	vadd.s32 @!p0 v6, v1;
	v1 =	vadd.s32 @!p0 $0x30D400, v2;
	v6 =	vld @!p0 [tilespmem:$0x6EE0]  }
0x1a7: {  	[tilespmem:$0x6F10] =	vst @!p0 v0;
	v0 =	vadd.s32 @!p0 v1, v3;
	v1 =	vadd.s32 @!p0 $0x493E00, v2;
	v3 =	vld @!p0 [tilespmem:$0x6EF0]  }
0x1a8: {  	[tilespmem:$0x6F20] =	vst @!p0 v0;
	v0 =	vadd.s32 @!p0 v1, v4;
	v1 =	vadd.s32 @!p0 $0x61A800, v2  }
0x1a9: {  	[tilespmem:$0x6F30] =	vst @!p0 v0;
	v0 =	vadd.s32 @!p0 v1, v5;
	v1 =	vadd.s32 @!p0 $0x7A1200, v2  }
0x1aa: {  	[tilespmem:$0x6F40] =	vst @!p0 v0;
	v0 =	vadd.s32 @!p0 v1, v7;
	v1 =	vadd.s32 @!p0 $0x927C00, v2  }
0x1ab: {  	[tilespmem:$0x6F50] =	vst @!p0 v0;
	v0 =	vadd.s32 @!p0 v1, v6;
	v1 =	vadd.s32 @!p0 $0xAAE600, v2  }
0x1ac: {  	[tilespmem:$0x6F60] =	vst @!p0 v0;
	v0 =	vadd.s32 @!p0 v1, v3  }
0x1ad: {  	s24 =	simm.s32 @!p0 $0x80;
	s25 =	simm.s32 @!p0 $0x6F00;
	s26 =	simm.s32 @!p0 $0x6F80;
	[tilespmem:$0x6F70] =	vst @!p0 v0  }
0x1ae: {  	[tilespmem:s26], [sflag:$0x3] =	stream.indirect.gather @!p0 [hbm4b:s5+s24], $0x1, s25, s24, $0xb8;
	[tilespmem:$0x7000] =	vst v63  }
0x1af: {  	s24 =	simm.s32 @!p0 $0x3  }
0x1b0: {  	s21 =	sadd.s32 $0x1, s21;
	_ =	swait.ge @!p0 [sflag:s24], $0x80  }
0x1b1: {  	p1 =	sne.s32 s21, s15;
	[sflag:s24] =	ssyncset.done @!p0 $0x0  }
.Ltmp8:
0x1b2: {  	[sflag:s24] =	ssyncadd.s32 @!p0 $0xFFFFFF80;
	(pc) =	sbr.rel @p1 .LBB2_1-.Ltmp8, $4  }
0x1b3: {  	[hbm4b:s3+s22] =	stream.linear.scatter @!p0 [tilespmem:s26], [sflag:$0x4], $0x80, $0x38;
	[tilespmem:$0x7000] =	vst v63  }
0x1b4: {  	_ =	swait.ge @!p0 [sflag:s23], $0x80  }
0x1b5: {  	[sflag:s23] =	ssyncset.done @!p0 $0x0  }
0x1b6: {  	[sflag:s23] =	ssyncadd.s32 @!p0 $0xFFFFFF80  }
0x1b7: {  	_ =	sfence.sel $0x180000  }
0x1b8: {  	[bflag:$0x0] =	sbarrier.arrive $0xFFFF  }
0x1b9: {  	p0 =	sne.s32 s0, $0x0;
	_ =	strace $0x90000047  }
0x1ba: {  	s0 =	sadd.s32 @!p0 $0x100000, s1;
	[bflag:$0x2] =	sbarrier.arrive $0xFFFF  }
0x1bb: {  	[sflag:s0] =	ssyncadd.tile.s32 @!p0 $0x1;
	_ =	shalt  }
.Lfunc_end2:
_tile_overlayer_lowered:
.L_overlay_start_2:
0x1bc: {  	(tag) =	ssettag $0x2  }
0x1bd: {  	s0 =	rddreg [dreg:$0x0];
	s2 =	stileid.u32  }
0x1be: {  	s1 =	rddreg [dreg:$0x1];
	p0 =	sne.s32 s2, $0x0  }
0x1bf: {  	s3 =	rddreg [dreg:$0x2];
	[bflag:$0x3] =	sbarrier.arrive $0xFFFF;
	s2 =	simm.s32 @!p0 $0x1C04  }
0x1c0: {  	[timem:s3], [sflag:s2] =	dma.local @!p0 [hbm:s0], s1  }
0x1c1: {  	s0 =	simm.s32 @!p0 $0x4  }
0x1c2: {  	_ =	swait.ge @!p0 [sflag:s0], s1  }
0x1c3: {  	s1 =	ssub.s32 @!p0 $0x0, s1;
	[sflag:s0] =	ssyncset.done @!p0 $0x0  }
0x1c4: {  	[sflag:s0] =	ssyncadd.s32 @!p0 s1  }
0x1c5: {  	[bflag:$0x3] =	sbarrier.arrive $0xFFFF  }
0x1c6: {  	_ =	shalt  }

</sc_bundles>
